<compile_context>
chip_gen: v7x
topology: tpu7x:2x2x1
jax: 0.10.2.dev20260603
libtpu: 0.0.44.dev20260713+nightly
codegen_flags: <defaults>
</compile_context>

<pallas_src>
import jax
import jax.numpy as jnp
import numpy as np
from jax.experimental import pallas as pl
from jax.experimental.pallas import tpu as pltpu

_H = 256
_W = 256
_N = 4096
_TH = 32
_TW = 32
_TP = _TH * _TW
_TN = 256
_NTX = _W // _TW
_NTY = _H // _TH
_NTILES = _NTX * _NTY
_NCH = _N // _TN
_LOG2E = 1.4426950408889634


def _prep(pk_ref, params_ref, colors_ref):
    pk = pk_ref[...]
    mean = jnp.tanh(pk[:, 0:2])
    x = 0.5 * (mean[:, 0:1] + 1.0) * _W
    y = 0.5 * (mean[:, 1:2] + 1.0) * _H
    l0 = pk[:, 2:3] + 0.5
    l1 = pk[:, 3:4]
    l2 = pk[:, 4:5] + 0.5
    s00 = l0 * l0
    s01 = l0 * l1
    s11 = l1 * l1 + l2 * l2
    det = s00 * s11 - s01 * s01
    f = -_LOG2E / det
    na = s11 * f
    nb = -s01 * f
    nc = s00 * f
    zeros = jnp.zeros_like(x)
    p = jnp.concatenate([x, y, 0.5 * na, 0.5 * nc, nb, na, nc, zeros], axis=1)
    params_ref[...] = p.T

    op = pk[:, 11:12]
    ones = jnp.ones_like(x)
    cat = jnp.concatenate(
        [pk[:, 5:8], 0.5 * pk[:, 8:11], ones, zeros], axis=1)
    colors_ref[...] = (cat * op).astype(jnp.bfloat16)


def _hi_lo(v):
    hi = v.astype(jnp.bfloat16)
    lo = (v - hi.astype(jnp.float32)).astype(jnp.bfloat16)
    return hi, lo


def _raster_kernel(bounds_ref, basis_ref, pk_ref, out_ref,
                   params_ref, colors_ref):
    ty = pl.program_id(0)

    @pl.when(ty == 0)
    def _():
        _prep(pk_ref, params_ref, colors_ref)

    cy = (ty * _TH + _TH // 2).astype(jnp.float32)
    basis = basis_ref[...]

    def body(k, acc):
        p = params_ref[:, pl.ds(k * _TN, _TN)]
        x = p[0:1, :]
        y = p[1:2, :]
        nA = p[2:3, :]
        nC = p[3:4, :]
        nb = p[4:5, :]
        na = p[5:6, :]
        nc = p[6:7, :]
        dy0 = cy - y
        c3h, c3l = _hi_lo(nA)
        c4h, c4l = _hi_lo(nC)
        c5h, c5l = _hi_lo(nb)
        zero = jnp.zeros((1, _TN), jnp.bfloat16)
        nbdy0 = nb * dy0
        c2y = nc * dy0
        c0y = (nC * dy0) * dy0
        coeffs = []
        for tx in range(_NTX):
            cx = jnp.float32(tx * _TW + _TW // 2)
            dx0 = cx - x
            c0 = (nA * dx0 + nbdy0) * dx0 + c0y
            c1 = na * dx0 + nbdy0
            c2 = c2y + nb * dx0
            c0h, c0l = _hi_lo(c0)
            c1h, c1l = _hi_lo(c1)
            c2h, c2l = _hi_lo(c2)
            coeffs.append(jnp.concatenate(
                [c0h, c0l,
                 c1h, c1l, c2h, c2l,
                 c3h, c3l, c3h,
                 c4h, c4l, c4h,
                 c5h, c5l, c5h,
                 zero], axis=0))
        coeff_all = jnp.concatenate(coeffs, axis=1)
        sig = jax.lax.dot_general(
            basis, coeff_all, (((1,), (0,)), ((), ())),
            preferred_element_type=jnp.float32)
        w = jnp.exp2(sig).astype(jnp.bfloat16)
        col = colors_ref[pl.ds(k * _TN, _TN), :]
        deltas = [
            jax.lax.dot_general(
                w[:, tx * _TN:(tx + 1) * _TN], col, (((1,), (0,)), ((), ())),
                preferred_element_type=jnp.float32)
            for tx in range(_NTX)]
        return acc + jnp.concatenate(deltas, axis=1)

    k0 = bounds_ref[0, ty]
    k1 = bounds_ref[1, ty]
    acc = jax.lax.fori_loop(
        k0, k1, body, jnp.zeros((_TP, _NTX * 8), dtype=jnp.float32))
    lane = jax.lax.broadcasted_iota(jnp.int32, (_TP, _NTX * 8), 1) % 8
    out_ref[...] = jnp.where(lane < 6, jnp.clip(acc, 0.0, 1.0), acc)[None]


def kernel(_xyz, _cholesky, _features_dc, random_colors, _opacity):
    ykey = 0.5 * (jnp.tanh(_xyz[:, 1]) + 1.0) * _H
    yq = (ykey * 64.0).astype(jnp.int32)
    perm = jnp.argsort(yq)
    ysort = yq[perm]
    reach = 17
    band = jnp.arange(_NTY, dtype=jnp.int32) * _TH
    lo = jnp.searchsorted(ysort, (band - reach) * 64)
    hi = jnp.searchsorted(ysort, (band + _TH + reach) * 64 + 64, side="right")
    bounds = jnp.stack([lo // _TN, (hi + _TN - 1) // _TN]).astype(jnp.int32)

    packed = jnp.concatenate(
        [_xyz, _cholesky, _features_dc, random_colors, _opacity], axis=1)
    packed = packed[perm]

    lx = np.arange(_TW, dtype=np.float32) + 0.5 - _TW // 2
    ly = np.arange(_TH, dtype=np.float32) + 0.5 - _TH // 2
    pxg, pyg = np.meshgrid(lx, ly)
    px = pxg.reshape(-1)
    py = pyg.reshape(-1)

    def split(v):
        hi = v.astype(jnp.bfloat16)
        lo = jnp.asarray(v) - hi.astype(jnp.float32)
        return hi.astype(np.float32), lo

    qxh, qxl = split(px * px)
    qyh, qyl = split(py * py)
    qxyh, qxyl = split(px * py)
    z = np.zeros_like(px)
    one = np.ones_like(px)
    basis = jnp.stack(
        [one, one,
         px, px, py, py,
         qxh, qxh, qxl,
         qyh, qyh, qyl,
         qxyh, qxyh, qxyl,
         z], axis=1).astype(jnp.bfloat16)

    acc = pl.pallas_call(
        _raster_kernel,
        grid=(_NTY,),
        in_specs=[
            pl.BlockSpec(memory_space=pltpu.SMEM),
            pl.BlockSpec((_TP, 16), lambda t: (0, 0)),
            pl.BlockSpec((_N, 12), lambda t: (0, 0)),
        ],
        out_specs=pl.BlockSpec((1, _TP, _NTX * 8), lambda t: (t, 0, 0)),
        out_shape=jax.ShapeDtypeStruct((_NTY, _TP, _NTX * 8), jnp.float32),
        scratch_shapes=[
            pltpu.VMEM((8, _N), jnp.float32),
            pltpu.VMEM((_N, 8), jnp.bfloat16),
        ],
    )(bounds, basis, packed)

    img = acc.reshape(_NTY, _TH, _TW, _NTX, 8).transpose(0, 1, 3, 2, 4)
    img = img.reshape(_H, _W, 8)
    out_img = img[:, :, 0:3].transpose(2, 0, 1)[None]
    gauss_img = img[:, :, 3:6].transpose(2, 0, 1)[None]
    out_alpha = img[:, :, 6:7].transpose(2, 0, 1)[None]
    return (out_img, gauss_img, out_alpha, _opacity)

# --- scband reference (transcript-rebuilt; emitter-appended) ---
"""Pipeline reference for scband-gaussian-image-cholesky-84456236908801 (READ-ONLY COPY).

The authoritative reference and input builder live on the scoring server;
editing this copy changes nothing except your own understanding.
"""

import jax, jax.numpy as jnp
import numpy as np

H = 256
W = 256
N = 4096
CHUNK = 256

def setup_inputs(seed: int = 0):
    key = jax.random.key(seed)
    k1, k2, k3, k4 = jax.random.split(key, 4)
    _xyz = jnp.arctanh(2.0 * (jax.random.uniform(k1, (N, 2), dtype=jnp.float32) - 0.5) * (1.0 - 1e-6))
    _cholesky = jax.random.uniform(k2, (N, 3), dtype=jnp.float32)
    _features_dc = jax.random.uniform(k3, (N, 3), dtype=jnp.float32)
    random_colors = jax.random.uniform(k4, (N, 3), dtype=jnp.float32)
    _opacity = jnp.ones((N, 1), dtype=jnp.float32)
    return {"_xyz": _xyz, "_cholesky": _cholesky, "_features_dc": _features_dc, "random_colors": random_colors, "_opacity": _opacity}

def _project_gaussians_2d(means2d, cholesky):
    # means2d in (-1,1) -> pixel coords; cholesky L = [[l0,0],[l1,l2]], Sigma = L L^T, conic = Sigma^-1
    xy = 0.5 * (means2d + 1.0) * jnp.array([W, H], dtype=jnp.float32)
    l0, l1, l2 = cholesky[:, 0], cholesky[:, 1], cholesky[:, 2]
    s00 = l0 * l0
    s01 = l0 * l1
    s11 = l1 * l1 + l2 * l2
    det = s00 * s11 - s01 * s01
    conics = jnp.stack([s11 / det, -s01 / det, s00 / det], axis=-1)
    return xy, conics

def _rasterize_gaussians_sum(xys, conics, opacities, cat_colors):
    ys, xs = jnp.meshgrid(jnp.arange(H, dtype=jnp.float32) + 0.5, jnp.arange(W, dtype=jnp.float32) + 0.5, indexing="ij")
    px = xs.reshape(-1)
    py = ys.reshape(-1)
    n_chunks = N // CHUNK
    C = cat_colors.shape[-1]
    xy_c = xys.reshape(n_chunks, CHUNK, 2)
    con_c = conics.reshape(n_chunks, CHUNK, 3)
    op_c = opacities.reshape(n_chunks, CHUNK)
    col_c = cat_colors.reshape(n_chunks, CHUNK, C)
    def body(acc, inp):
        xy, con, op, col = inp
        dx = px[:, None] - xy[None, :, 0]
        dy = py[:, None] - xy[None, :, 1]
        sigma = 0.5 * (con[None, :, 0] * dx * dx + con[None, :, 2] * dy * dy) + con[None, :, 1] * dx * dy
        w = op[None, :] * jnp.exp(-sigma)
        return acc + w @ col, None
    init = jnp.zeros((H * W, C), dtype=jnp.float32)
    out, _ = jax.lax.scan(body, init, (xy_c, con_c, op_c, col_c))
    return out

def reference(_xyz, _cholesky, _features_dc, random_colors, _opacity):
    cholesky_bound = jnp.array([[0.5, 0.0, 0.5]], dtype=jnp.float32)
    means = jnp.tanh(_xyz)
    chol = _cholesky + cholesky_bound
    xys, conics = _project_gaussians_2d(means, chol)
    colors = _features_dc
    geom_colors = random_colors * 0.5
    ones_color = jnp.ones_like(colors)
    # three rasterize_gaussians_sum calls share identical weights; fuse via concatenated colors (mathematically identical)
    cat = jnp.concatenate([colors, geom_colors, ones_color], axis=-1)
    acc = _rasterize_gaussians_sum(xys, conics, _opacity, cat)
    out_img = jnp.clip(acc[:, 0:3], 0.0, 1.0).reshape(H, W, 3).transpose(2, 0, 1)[None]
    gauss_img = jnp.clip(acc[:, 3:6], 0.0, 1.0).reshape(H, W, 3).transpose(2, 0, 1)[None]
    out_alpha = jnp.mean(acc[:, 6:9], axis=-1, keepdims=True).reshape(H, W, 1).transpose(2, 0, 1)[None]
    final_opacities = _opacity
    return (out_img, gauss_img, out_alpha, final_opacities)

if __name__ == "__main__":
    import jax
    _d = setup_inputs()
    print(jax.jit(kernel)(*tuple(_d.values())))

</pallas_src>

<mosaic_0001>
module attributes {stable_mosaic.version = 14 : i64} {
  func.func @_raster_kernel(%arg0: i32, %arg1: memref<2x8xi32, #tpu.memory_space<smem>>, %arg2: memref<1024x16xbf16, #tpu.memory_space<vmem>>, %arg3: memref<4096x12xf32, #tpu.memory_space<vmem>>, %arg4: memref<1x1024x64xf32, #tpu.memory_space<vmem>>, %arg5: memref<8x4096xf32, #tpu.memory_space<vmem>>, %arg6: memref<4096x8xbf16, #tpu.memory_space<vmem>>) attributes {dimension_semantics = [#tpu.dimension_semantics<arbitrary>], iteration_bounds = array<i64: 8>, scalar_prefetch = 0 : i64, scratch_operands = 2 : i64, tpu.core_type = #tpu.core_type<tc>, window_params = [{transform_indices = @transform_0, window_bounds = array<i64: 2, 8>}, {pipeline_mode = #tpu.pipeline_mode<synchronous>, transform_indices = @transform_1, window_bounds = array<i64: 1024, 16>}, {pipeline_mode = #tpu.pipeline_mode<synchronous>, transform_indices = @transform_2, window_bounds = array<i64: 4096, 12>}, {transform_indices = @transform_3, window_bounds = array<i64: 1, 1024, 64>}]} {
    %eq3A = arith.constant 0 : i32
    %eq3A_0 = arith.cmpi eq, %arg0, %eq3A : i32
    %convert_element_type3A = arith.extui %eq3A_0 : i1 to i32
    %cond3A = arith.constant 0 : i32
    %cond3A_1 = arith.cmpi ne, %convert_element_type3A, %cond3A : i32
    scf.if %cond3A_1 {
      %get3A_51 = arith.constant 0 : index
      %get3A_52 = arith.constant 0 : index
      %get3A_53 = vector.load %arg3[%get3A_51, %get3A_52] : memref<4096x12xf32, #tpu.memory_space<vmem>>, vector<4096x12xf32>
      %slice3A = vector.extract_strided_slice %get3A_53 {offsets = [0, 0], sizes = [4096, 2], strides = [1, 1]} : vector<4096x12xf32> to vector<4096x2xf32>
      %tanh3A = math.tanh %slice3A : vector<4096x2xf32>
      %slice3A_54 = vector.extract_strided_slice %tanh3A {offsets = [0, 0], sizes = [4096, 1], strides = [1, 1]} : vector<4096x2xf32> to vector<4096x1xf32>
      %add3A_55 = arith.constant 1.000000e+00 : f32
      %add3A_56 = vector.broadcast %add3A_55 : f32 to vector<4096x1xf32>
      %add3A_57 = arith.addf %slice3A_54, %add3A_56 : vector<4096x1xf32>
      %mul3A_58 = arith.constant 5.000000e-01 : f32
      %mul3A_59 = vector.broadcast %mul3A_58 : f32 to vector<4096x1xf32>
      %mul3A_60 = arith.mulf %mul3A_59, %add3A_57 : vector<4096x1xf32>
      %mul3A_61 = arith.constant 2.560000e+02 : f32
      %mul3A_62 = vector.broadcast %mul3A_61 : f32 to vector<4096x1xf32>
      %mul3A_63 = arith.mulf %mul3A_60, %mul3A_62 : vector<4096x1xf32>
      %slice3A_64 = vector.extract_strided_slice %tanh3A {offsets = [0, 1], sizes = [4096, 1], strides = [1, 1]} : vector<4096x2xf32> to vector<4096x1xf32>
      %add3A_65 = arith.constant 1.000000e+00 : f32
      %add3A_66 = vector.broadcast %add3A_65 : f32 to vector<4096x1xf32>
      %add3A_67 = arith.addf %slice3A_64, %add3A_66 : vector<4096x1xf32>
      %mul3A_68 = arith.constant 5.000000e-01 : f32
      %mul3A_69 = vector.broadcast %mul3A_68 : f32 to vector<4096x1xf32>
      %mul3A_70 = arith.mulf %mul3A_69, %add3A_67 : vector<4096x1xf32>
      %mul3A_71 = arith.constant 2.560000e+02 : f32
      %mul3A_72 = vector.broadcast %mul3A_71 : f32 to vector<4096x1xf32>
      %mul3A_73 = arith.mulf %mul3A_70, %mul3A_72 : vector<4096x1xf32>
      %slice3A_74 = vector.extract_strided_slice %get3A_53 {offsets = [0, 2], sizes = [4096, 1], strides = [1, 1]} : vector<4096x12xf32> to vector<4096x1xf32>
      %add3A_75 = arith.constant 5.000000e-01 : f32
      %add3A_76 = vector.broadcast %add3A_75 : f32 to vector<4096x1xf32>
      %add3A_77 = arith.addf %slice3A_74, %add3A_76 : vector<4096x1xf32>
      %slice3A_78 = vector.extract_strided_slice %get3A_53 {offsets = [0, 3], sizes = [4096, 1], strides = [1, 1]} : vector<4096x12xf32> to vector<4096x1xf32>
      %slice3A_79 = vector.extract_strided_slice %get3A_53 {offsets = [0, 4], sizes = [4096, 1], strides = [1, 1]} : vector<4096x12xf32> to vector<4096x1xf32>
      %add3A_80 = arith.constant 5.000000e-01 : f32
      %add3A_81 = vector.broadcast %add3A_80 : f32 to vector<4096x1xf32>
      %add3A_82 = arith.addf %slice3A_79, %add3A_81 : vector<4096x1xf32>
      %mul3A_83 = arith.mulf %add3A_77, %add3A_77 : vector<4096x1xf32>
      %mul3A_84 = arith.mulf %add3A_77, %slice3A_78 : vector<4096x1xf32>
      %mul3A_85 = arith.mulf %slice3A_78, %slice3A_78 : vector<4096x1xf32>
      %mul3A_86 = arith.mulf %add3A_82, %add3A_82 : vector<4096x1xf32>
      %add3A_87 = arith.addf %mul3A_85, %mul3A_86 : vector<4096x1xf32>
      %mul3A_88 = arith.mulf %mul3A_83, %add3A_87 : vector<4096x1xf32>
      %mul3A_89 = arith.mulf %mul3A_84, %mul3A_84 : vector<4096x1xf32>
      %sub3A = arith.subf %mul3A_88, %mul3A_89 : vector<4096x1xf32>
      %div3A = arith.constant -1.44269502 : f32
      %div3A_90 = vector.broadcast %div3A : f32 to vector<4096x1xf32>
      %div3A_91 = arith.divf %div3A_90, %sub3A : vector<4096x1xf32>
      %mul3A_92 = arith.mulf %add3A_87, %div3A_91 : vector<4096x1xf32>
      %neg3A = arith.constant 0.000000e+00 : f32
      %neg3A_93 = vector.broadcast %neg3A : f32 to vector<4096x1xf32>
      %neg3A_94 = arith.subf %neg3A_93, %mul3A_84 : vector<4096x1xf32>
      %mul3A_95 = arith.mulf %neg3A_94, %div3A_91 : vector<4096x1xf32>
      %mul3A_96 = arith.mulf %mul3A_83, %div3A_91 : vector<4096x1xf32>
      %broadcast_in_dim3A_97 = arith.constant 0.000000e+00 : f32
      %broadcast_in_dim3A_98 = vector.broadcast %broadcast_in_dim3A_97 : f32 to vector<4096x1xf32>
      %mul3A_99 = arith.constant 5.000000e-01 : f32
      %mul3A_100 = vector.broadcast %mul3A_99 : f32 to vector<4096x1xf32>
      %mul3A_101 = arith.mulf %mul3A_100, %mul3A_92 : vector<4096x1xf32>
      %mul3A_102 = arith.constant 5.000000e-01 : f32
      %mul3A_103 = vector.broadcast %mul3A_102 : f32 to vector<4096x1xf32>
      %mul3A_104 = arith.mulf %mul3A_103, %mul3A_96 : vector<4096x1xf32>
      %concatenate3A = tpu.concatenate %mul3A_63, %mul3A_73, %mul3A_101, %mul3A_104, %mul3A_95, %mul3A_92, %mul3A_96, %broadcast_in_dim3A_98 in 1 : vector<4096x1xf32>, vector<4096x1xf32>, vector<4096x1xf32>, vector<4096x1xf32>, vector<4096x1xf32>, vector<4096x1xf32>, vector<4096x1xf32>, vector<4096x1xf32> -> vector<4096x8xf32>
      %transpose3A = tpu.transpose %concatenate3A, [1, 0] : vector<4096x8xf32> -> vector<8x4096xf32>
      %swap3A_105 = arith.constant 0 : index
      %swap3A_106 = arith.constant 0 : index
      %swap3A_107 = vector.load %arg5[%swap3A_105, %swap3A_106] : memref<8x4096xf32, #tpu.memory_space<vmem>>, vector<8x4096xf32>
      tpu.vector_store %arg5[%swap3A_105, %swap3A_106], %transpose3A {strides = array<i32>} : memref<8x4096xf32, #tpu.memory_space<vmem>>, vector<8x4096xf32>,
      %slice3A_108 = vector.extract_strided_slice %get3A_53 {offsets = [0, 11], sizes = [4096, 1], strides = [1, 1]} : vector<4096x12xf32> to vector<4096x1xf32>
      %broadcast_in_dim3A_109 = arith.constant 1.000000e+00 : f32
      %broadcast_in_dim3A_110 = vector.broadcast %broadcast_in_dim3A_109 : f32 to vector<4096x1xf32>
      %slice3A_111 = vector.extract_strided_slice %get3A_53 {offsets = [0, 5], sizes = [4096, 3], strides = [1, 1]} : vector<4096x12xf32> to vector<4096x3xf32>
      %slice3A_112 = vector.extract_strided_slice %get3A_53 {offsets = [0, 8], sizes = [4096, 3], strides = [1, 1]} : vector<4096x12xf32> to vector<4096x3xf32>
      %mul3A_113 = arith.constant 5.000000e-01 : f32
      %mul3A_114 = vector.broadcast %mul3A_113 : f32 to vector<4096x3xf32>
      %mul3A_115 = arith.mulf %mul3A_114, %slice3A_112 : vector<4096x3xf32>
      %concatenate3A_116 = tpu.concatenate %slice3A_111, %mul3A_115, %broadcast_in_dim3A_110, %broadcast_in_dim3A_98 in 1 : vector<4096x3xf32>, vector<4096x3xf32>, vector<4096x1xf32>, vector<4096x1xf32> -> vector<4096x8xf32>
      %mul3A_117 = vector.broadcast %slice3A_108 : vector<4096x1xf32> to vector<4096x8xf32>
      %mul3A_118 = arith.mulf %concatenate3A_116, %mul3A_117 : vector<4096x8xf32>
      %convert_element_type3A_119 = arith.truncf %mul3A_118 : vector<4096x8xf32> to vector<4096x8xbf16>
      %swap3A_120 = arith.constant 0 : index
      %swap3A_121 = arith.constant 0 : index
      %swap3A_122 = vector.load %arg6[%swap3A_120, %swap3A_121] : memref<4096x8xbf16, #tpu.memory_space<vmem>>, vector<4096x8xbf16>
      tpu.vector_store %arg6[%swap3A_120, %swap3A_121], %convert_element_type3A_119 {strides = array<i32>} : memref<4096x8xbf16, #tpu.memory_space<vmem>>, vector<4096x8xbf16>,
    } else {
    }
    %mul3A = arith.constant 32 : i32
    %mul3A_2 = arith.muli %arg0, %mul3A : i32
    %add3A = arith.constant 16 : i32
    %add3A_3 = arith.addi %mul3A_2, %add3A : i32
    %convert_element_type3A_4 = arith.sitofp %add3A_3 : i32 to f32
    %get3A = arith.constant 0 : index
    %get3A_5 = arith.constant 0 : index
    %get3A_6 = vector.load %arg2[%get3A, %get3A_5] : memref<1024x16xbf16, #tpu.memory_space<vmem>>, vector<1024x16xbf16>
    %get3A_7 = arith.constant 0 : index
    %get3A_8 = arith.index_cast %arg0 : i32 to index
    %get3A_9 = memref.load %arg1[%get3A_7, %get3A_8] : memref<2x8xi32, #tpu.memory_space<smem>>
    %get3A_10 = arith.constant 1 : index
    %get3A_11 = arith.index_cast %arg0 : i32 to index
    %get3A_12 = memref.load %arg1[%get3A_10, %get3A_11] : memref<2x8xi32, #tpu.memory_space<smem>>
    %broadcast_in_dim3A = arith.constant 0.000000e+00 : f32
    %broadcast_in_dim3A_13 = vector.broadcast %broadcast_in_dim3A : f32 to vector<1024x64xf32>
    %while3A = arith.subi %get3A_12, %get3A_9 : i32
    %while3A_14 = arith.addi %get3A_9, %while3A : i32
    %while3A_15 = arith.constant 1 : i32
    %while3A_16 = arith.divsi %while3A, %while3A_15 : i32
    %while3A_17 = arith.muli %while3A_16, %while3A_15 : i32
    %while3A_18 = arith.addi %get3A_9, %while3A_17 : i32
    %while3A_19 = arith.constant 1 : i32
    %while3A_20 = scf.for %while3A_51 = %get3A_9 to %while3A_18 step %while3A_19 iter_args(%while3A_52 = %broadcast_in_dim3A_13) -> (vector<1024x64xf32>)  : i32 {
      %mul3A_53 = arith.constant 256 : i32
      %mul3A_54 = arith.muli %while3A_51, %mul3A_53 : i32
      %get3A_55 = arith.constant 0 : index
      %get3A_56 = arith.index_cast %mul3A_54 : i32 to index
      %get3A_57 = vector.load %arg5[%get3A_55, %get3A_56] : memref<8x4096xf32, #tpu.memory_space<vmem>>, vector<8x256xf32>
      %slice3A = vector.extract_strided_slice %get3A_57 {offsets = [0, 0], sizes = [1, 256], strides = [1, 1]} : vector<8x256xf32> to vector<1x256xf32>
      %slice3A_58 = vector.extract_strided_slice %get3A_57 {offsets = [1, 0], sizes = [1, 256], strides = [1, 1]} : vector<8x256xf32> to vector<1x256xf32>
      %slice3A_59 = vector.extract_strided_slice %get3A_57 {offsets = [2, 0], sizes = [1, 256], strides = [1, 1]} : vector<8x256xf32> to vector<1x256xf32>
      %slice3A_60 = vector.extract_strided_slice %get3A_57 {offsets = [3, 0], sizes = [1, 256], strides = [1, 1]} : vector<8x256xf32> to vector<1x256xf32>
      %slice3A_61 = vector.extract_strided_slice %get3A_57 {offsets = [4, 0], sizes = [1, 256], strides = [1, 1]} : vector<8x256xf32> to vector<1x256xf32>
      %slice3A_62 = vector.extract_strided_slice %get3A_57 {offsets = [5, 0], sizes = [1, 256], strides = [1, 1]} : vector<8x256xf32> to vector<1x256xf32>
      %slice3A_63 = vector.extract_strided_slice %get3A_57 {offsets = [6, 0], sizes = [1, 256], strides = [1, 1]} : vector<8x256xf32> to vector<1x256xf32>
      %sub3A = vector.broadcast %convert_element_type3A_4 : f32 to vector<1x256xf32>
      %sub3A_64 = arith.subf %sub3A, %slice3A_58 : vector<1x256xf32>
      %convert_element_type3A_65 = arith.truncf %slice3A_59 : vector<1x256xf32> to vector<1x256xbf16>
      %convert_element_type3A_66 = arith.extf %convert_element_type3A_65 : vector<1x256xbf16> to vector<1x256xf32>
      %sub3A_67 = arith.subf %slice3A_59, %convert_element_type3A_66 : vector<1x256xf32>
      %convert_element_type3A_68 = arith.truncf %sub3A_67 : vector<1x256xf32> to vector<1x256xbf16>
      %convert_element_type3A_69 = arith.truncf %slice3A_60 : vector<1x256xf32> to vector<1x256xbf16>
      %convert_element_type3A_70 = arith.extf %convert_element_type3A_69 : vector<1x256xbf16> to vector<1x256xf32>
      %sub3A_71 = arith.subf %slice3A_60, %convert_element_type3A_70 : vector<1x256xf32>
      %convert_element_type3A_72 = arith.truncf %sub3A_71 : vector<1x256xf32> to vector<1x256xbf16>
      %convert_element_type3A_73 = arith.truncf %slice3A_61 : vector<1x256xf32> to vector<1x256xbf16>
      %convert_element_type3A_74 = arith.extf %convert_element_type3A_73 : vector<1x256xbf16> to vector<1x256xf32>
      %sub3A_75 = arith.subf %slice3A_61, %convert_element_type3A_74 : vector<1x256xf32>
      %convert_element_type3A_76 = arith.truncf %sub3A_75 : vector<1x256xf32> to vector<1x256xbf16>
      %broadcast_in_dim3A_77 = arith.constant 0.000000e+00 : bf16
      %broadcast_in_dim3A_78 = vector.broadcast %broadcast_in_dim3A_77 : bf16 to vector<1x256xbf16>
      %mul3A_79 = arith.mulf %slice3A_61, %sub3A_64 : vector<1x256xf32>
      %mul3A_80 = arith.mulf %slice3A_63, %sub3A_64 : vector<1x256xf32>
      %mul3A_81 = arith.mulf %slice3A_60, %sub3A_64 : vector<1x256xf32>
      %mul3A_82 = arith.mulf %mul3A_81, %sub3A_64 : vector<1x256xf32>
      %sub3A_83 = arith.constant 1.600000e+01 : f32
      %sub3A_84 = vector.broadcast %sub3A_83 : f32 to vector<1x256xf32>
      %sub3A_85 = arith.subf %sub3A_84, %slice3A : vector<1x256xf32>
      %mul3A_86 = arith.mulf %slice3A_59, %sub3A_85 : vector<1x256xf32>
      %add3A_87 = arith.addf %mul3A_86, %mul3A_79 : vector<1x256xf32>
      %mul3A_88 = arith.mulf %add3A_87, %sub3A_85 : vector<1x256xf32>
      %add3A_89 = arith.addf %mul3A_88, %mul3A_82 : vector<1x256xf32>
      %mul3A_90 = arith.mulf %slice3A_62, %sub3A_85 : vector<1x256xf32>
      %add3A_91 = arith.addf %mul3A_90, %mul3A_79 : vector<1x256xf32>
      %mul3A_92 = arith.mulf %slice3A_61, %sub3A_85 : vector<1x256xf32>
      %add3A_93 = arith.addf %mul3A_80, %mul3A_92 : vector<1x256xf32>
      %convert_element_type3A_94 = arith.truncf %add3A_89 : vector<1x256xf32> to vector<1x256xbf16>
      %convert_element_type3A_95 = arith.extf %convert_element_type3A_94 : vector<1x256xbf16> to vector<1x256xf32>
      %sub3A_96 = arith.subf %add3A_89, %convert_element_type3A_95 : vector<1x256xf32>
      %convert_element_type3A_97 = arith.truncf %sub3A_96 : vector<1x256xf32> to vector<1x256xbf16>
      %convert_element_type3A_98 = arith.truncf %add3A_91 : vector<1x256xf32> to vector<1x256xbf16>
      %convert_element_type3A_99 = arith.extf %convert_element_type3A_98 : vector<1x256xbf16> to vector<1x256xf32>
      %sub3A_100 = arith.subf %add3A_91, %convert_element_type3A_99 : vector<1x256xf32>
      %convert_element_type3A_101 = arith.truncf %sub3A_100 : vector<1x256xf32> to vector<1x256xbf16>
      %convert_element_type3A_102 = arith.truncf %add3A_93 : vector<1x256xf32> to vector<1x256xbf16>
      %convert_element_type3A_103 = arith.extf %convert_element_type3A_102 : vector<1x256xbf16> to vector<1x256xf32>
      %sub3A_104 = arith.subf %add3A_93, %convert_element_type3A_103 : vector<1x256xf32>
      %convert_element_type3A_105 = arith.truncf %sub3A_104 : vector<1x256xf32> to vector<1x256xbf16>
      %concatenate3A = tpu.concatenate %convert_element_type3A_94, %convert_element_type3A_97, %convert_element_type3A_98, %convert_element_type3A_101, %convert_element_type3A_102, %convert_element_type3A_105, %convert_element_type3A_65, %convert_element_type3A_68, %convert_element_type3A_65, %convert_element_type3A_69, %convert_element_type3A_72, %convert_element_type3A_69, %convert_element_type3A_73, %convert_element_type3A_76, %convert_element_type3A_73, %broadcast_in_dim3A_78 in 0 : vector<1x256xbf16>, vector<1x256xbf16>, vector<1x256xbf16>, vector<1x256xbf16>, vector<1x256xbf16>, vector<1x256xbf16>, vector<1x256xbf16>, vector<1x256xbf16>, vector<1x256xbf16>, vector<1x256xbf16>, vector<1x256xbf16>, vector<1x256xbf16>, vector<1x256xbf16>, vector<1x256xbf16>, vector<1x256xbf16>, vector<1x256xbf16> -> vector<16x256xbf16>
      %sub3A_106 = arith.constant 4.800000e+01 : f32
      %sub3A_107 = vector.broadcast %sub3A_106 : f32 to vector<1x256xf32>
      %sub3A_108 = arith.subf %sub3A_107, %slice3A : vector<1x256xf32>
      %mul3A_109 = arith.mulf %slice3A_59, %sub3A_108 : vector<1x256xf32>
      %add3A_110 = arith.addf %mul3A_109, %mul3A_79 : vector<1x256xf32>
      %mul3A_111 = arith.mulf %add3A_110, %sub3A_108 : vector<1x256xf32>
      %add3A_112 = arith.addf %mul3A_111, %mul3A_82 : vector<1x256xf32>
      %mul3A_113 = arith.mulf %slice3A_62, %sub3A_108 : vector<1x256xf32>
      %add3A_114 = arith.addf %mul3A_113, %mul3A_79 : vector<1x256xf32>
      %mul3A_115 = arith.mulf %slice3A_61, %sub3A_108 : vector<1x256xf32>
      %add3A_116 = arith.addf %mul3A_80, %mul3A_115 : vector<1x256xf32>
      %convert_element_type3A_117 = arith.truncf %add3A_112 : vector<1x256xf32> to vector<1x256xbf16>
      %convert_element_type3A_118 = arith.extf %convert_element_type3A_117 : vector<1x256xbf16> to vector<1x256xf32>
      %sub3A_119 = arith.subf %add3A_112, %convert_element_type3A_118 : vector<1x256xf32>
      %convert_element_type3A_120 = arith.truncf %sub3A_119 : vector<1x256xf32> to vector<1x256xbf16>
      %convert_element_type3A_121 = arith.truncf %add3A_114 : vector<1x256xf32> to vector<1x256xbf16>
      %convert_element_type3A_122 = arith.extf %convert_element_type3A_121 : vector<1x256xbf16> to vector<1x256xf32>
      %sub3A_123 = arith.subf %add3A_114, %convert_element_type3A_122 : vector<1x256xf32>
      %convert_element_type3A_124 = arith.truncf %sub3A_123 : vector<1x256xf32> to vector<1x256xbf16>
      %convert_element_type3A_125 = arith.truncf %add3A_116 : vector<1x256xf32> to vector<1x256xbf16>
      %convert_element_type3A_126 = arith.extf %convert_element_type3A_125 : vector<1x256xbf16> to vector<1x256xf32>
      %sub3A_127 = arith.subf %add3A_116, %convert_element_type3A_126 : vector<1x256xf32>
      %convert_element_type3A_128 = arith.truncf %sub3A_127 : vector<1x256xf32> to vector<1x256xbf16>
      %concatenate3A_129 = tpu.concatenate %convert_element_type3A_117, %convert_element_type3A_120, %convert_element_type3A_121, %convert_element_type3A_124, %convert_element_type3A_125, %convert_element_type3A_128, %convert_element_type3A_65, %convert_element_type3A_68, %convert_element_type3A_65, %convert_element_type3A_69, %convert_element_type3A_72, %convert_element_type3A_69, %convert_element_type3A_73, %convert_element_type3A_76, %convert_element_type3A_73, %broadcast_in_dim3A_78 in 0 : vector<1x256xbf16>, vector<1x256xbf16>, vector<1x256xbf16>, vector<1x256xbf16>, vector<1x256xbf16>, vector<1x256xbf16>, vector<1x256xbf16>, vector<1x256xbf16>, vector<1x256xbf16>, vector<1x256xbf16>, vector<1x256xbf16>, vector<1x256xbf16>, vector<1x256xbf16>, vector<1x256xbf16>, vector<1x256xbf16>, vector<1x256xbf16> -> vector<16x256xbf16>
      %sub3A_130 = arith.constant 8.000000e+01 : f32
      %sub3A_131 = vector.broadcast %sub3A_130 : f32 to vector<1x256xf32>
      %sub3A_132 = arith.subf %sub3A_131, %slice3A : vector<1x256xf32>
      %mul3A_133 = arith.mulf %slice3A_59, %sub3A_132 : vector<1x256xf32>
      %add3A_134 = arith.addf %mul3A_133, %mul3A_79 : vector<1x256xf32>
      %mul3A_135 = arith.mulf %add3A_134, %sub3A_132 : vector<1x256xf32>
      %add3A_136 = arith.addf %mul3A_135, %mul3A_82 : vector<1x256xf32>
      %mul3A_137 = arith.mulf %slice3A_62, %sub3A_132 : vector<1x256xf32>
      %add3A_138 = arith.addf %mul3A_137, %mul3A_79 : vector<1x256xf32>
      %mul3A_139 = arith.mulf %slice3A_61, %sub3A_132 : vector<1x256xf32>
      %add3A_140 = arith.addf %mul3A_80, %mul3A_139 : vector<1x256xf32>
      %convert_element_type3A_141 = arith.truncf %add3A_136 : vector<1x256xf32> to vector<1x256xbf16>
      %convert_element_type3A_142 = arith.extf %convert_element_type3A_141 : vector<1x256xbf16> to vector<1x256xf32>
      %sub3A_143 = arith.subf %add3A_136, %convert_element_type3A_142 : vector<1x256xf32>
      %convert_element_type3A_144 = arith.truncf %sub3A_143 : vector<1x256xf32> to vector<1x256xbf16>
      %convert_element_type3A_145 = arith.truncf %add3A_138 : vector<1x256xf32> to vector<1x256xbf16>
      %convert_element_type3A_146 = arith.extf %convert_element_type3A_145 : vector<1x256xbf16> to vector<1x256xf32>
      %sub3A_147 = arith.subf %add3A_138, %convert_element_type3A_146 : vector<1x256xf32>
      %convert_element_type3A_148 = arith.truncf %sub3A_147 : vector<1x256xf32> to vector<1x256xbf16>
      %convert_element_type3A_149 = arith.truncf %add3A_140 : vector<1x256xf32> to vector<1x256xbf16>
      %convert_element_type3A_150 = arith.extf %convert_element_type3A_149 : vector<1x256xbf16> to vector<1x256xf32>
      %sub3A_151 = arith.subf %add3A_140, %convert_element_type3A_150 : vector<1x256xf32>
      %convert_element_type3A_152 = arith.truncf %sub3A_151 : vector<1x256xf32> to vector<1x256xbf16>
      %concatenate3A_153 = tpu.concatenate %convert_element_type3A_141, %convert_element_type3A_144, %convert_element_type3A_145, %convert_element_type3A_148, %convert_element_type3A_149, %convert_element_type3A_152, %convert_element_type3A_65, %convert_element_type3A_68, %convert_element_type3A_65, %convert_element_type3A_69, %convert_element_type3A_72, %convert_element_type3A_69, %convert_element_type3A_73, %convert_element_type3A_76, %convert_element_type3A_73, %broadcast_in_dim3A_78 in 0 : vector<1x256xbf16>, vector<1x256xbf16>, vector<1x256xbf16>, vector<1x256xbf16>, vector<1x256xbf16>, vector<1x256xbf16>, vector<1x256xbf16>, vector<1x256xbf16>, vector<1x256xbf16>, vector<1x256xbf16>, vector<1x256xbf16>, vector<1x256xbf16>, vector<1x256xbf16>, vector<1x256xbf16>, vector<1x256xbf16>, vector<1x256xbf16> -> vector<16x256xbf16>
      %sub3A_154 = arith.constant 1.120000e+02 : f32
      %sub3A_155 = vector.broadcast %sub3A_154 : f32 to vector<1x256xf32>
      %sub3A_156 = arith.subf %sub3A_155, %slice3A : vector<1x256xf32>
      %mul3A_157 = arith.mulf %slice3A_59, %sub3A_156 : vector<1x256xf32>
      %add3A_158 = arith.addf %mul3A_157, %mul3A_79 : vector<1x256xf32>
      %mul3A_159 = arith.mulf %add3A_158, %sub3A_156 : vector<1x256xf32>
      %add3A_160 = arith.addf %mul3A_159, %mul3A_82 : vector<1x256xf32>
      %mul3A_161 = arith.mulf %slice3A_62, %sub3A_156 : vector<1x256xf32>
      %add3A_162 = arith.addf %mul3A_161, %mul3A_79 : vector<1x256xf32>
      %mul3A_163 = arith.mulf %slice3A_61, %sub3A_156 : vector<1x256xf32>
      %add3A_164 = arith.addf %mul3A_80, %mul3A_163 : vector<1x256xf32>
      %convert_element_type3A_165 = arith.truncf %add3A_160 : vector<1x256xf32> to vector<1x256xbf16>
      %convert_element_type3A_166 = arith.extf %convert_element_type3A_165 : vector<1x256xbf16> to vector<1x256xf32>
      %sub3A_167 = arith.subf %add3A_160, %convert_element_type3A_166 : vector<1x256xf32>
      %convert_element_type3A_168 = arith.truncf %sub3A_167 : vector<1x256xf32> to vector<1x256xbf16>
      %convert_element_type3A_169 = arith.truncf %add3A_162 : vector<1x256xf32> to vector<1x256xbf16>
      %convert_element_type3A_170 = arith.extf %convert_element_type3A_169 : vector<1x256xbf16> to vector<1x256xf32>
      %sub3A_171 = arith.subf %add3A_162, %convert_element_type3A_170 : vector<1x256xf32>
      %convert_element_type3A_172 = arith.truncf %sub3A_171 : vector<1x256xf32> to vector<1x256xbf16>
      %convert_element_type3A_173 = arith.truncf %add3A_164 : vector<1x256xf32> to vector<1x256xbf16>
      %convert_element_type3A_174 = arith.extf %convert_element_type3A_173 : vector<1x256xbf16> to vector<1x256xf32>
      %sub3A_175 = arith.subf %add3A_164, %convert_element_type3A_174 : vector<1x256xf32>
      %convert_element_type3A_176 = arith.truncf %sub3A_175 : vector<1x256xf32> to vector<1x256xbf16>
      %concatenate3A_177 = tpu.concatenate %convert_element_type3A_165, %convert_element_type3A_168, %convert_element_type3A_169, %convert_element_type3A_172, %convert_element_type3A_173, %convert_element_type3A_176, %convert_element_type3A_65, %convert_element_type3A_68, %convert_element_type3A_65, %convert_element_type3A_69, %convert_element_type3A_72, %convert_element_type3A_69, %convert_element_type3A_73, %convert_element_type3A_76, %convert_element_type3A_73, %broadcast_in_dim3A_78 in 0 : vector<1x256xbf16>, vector<1x256xbf16>, vector<1x256xbf16>, vector<1x256xbf16>, vector<1x256xbf16>, vector<1x256xbf16>, vector<1x256xbf16>, vector<1x256xbf16>, vector<1x256xbf16>, vector<1x256xbf16>, vector<1x256xbf16>, vector<1x256xbf16>, vector<1x256xbf16>, vector<1x256xbf16>, vector<1x256xbf16>, vector<1x256xbf16> -> vector<16x256xbf16>
      %sub3A_178 = arith.constant 1.440000e+02 : f32
      %sub3A_179 = vector.broadcast %sub3A_178 : f32 to vector<1x256xf32>
      %sub3A_180 = arith.subf %sub3A_179, %slice3A : vector<1x256xf32>
      %mul3A_181 = arith.mulf %slice3A_59, %sub3A_180 : vector<1x256xf32>
      %add3A_182 = arith.addf %mul3A_181, %mul3A_79 : vector<1x256xf32>
      %mul3A_183 = arith.mulf %add3A_182, %sub3A_180 : vector<1x256xf32>
      %add3A_184 = arith.addf %mul3A_183, %mul3A_82 : vector<1x256xf32>
      %mul3A_185 = arith.mulf %slice3A_62, %sub3A_180 : vector<1x256xf32>
      %add3A_186 = arith.addf %mul3A_185, %mul3A_79 : vector<1x256xf32>
      %mul3A_187 = arith.mulf %slice3A_61, %sub3A_180 : vector<1x256xf32>
      %add3A_188 = arith.addf %mul3A_80, %mul3A_187 : vector<1x256xf32>
      %convert_element_type3A_189 = arith.truncf %add3A_184 : vector<1x256xf32> to vector<1x256xbf16>
      %convert_element_type3A_190 = arith.extf %convert_element_type3A_189 : vector<1x256xbf16> to vector<1x256xf32>
      %sub3A_191 = arith.subf %add3A_184, %convert_element_type3A_190 : vector<1x256xf32>
      %convert_element_type3A_192 = arith.truncf %sub3A_191 : vector<1x256xf32> to vector<1x256xbf16>
      %convert_element_type3A_193 = arith.truncf %add3A_186 : vector<1x256xf32> to vector<1x256xbf16>
      %convert_element_type3A_194 = arith.extf %convert_element_type3A_193 : vector<1x256xbf16> to vector<1x256xf32>
      %sub3A_195 = arith.subf %add3A_186, %convert_element_type3A_194 : vector<1x256xf32>
      %convert_element_type3A_196 = arith.truncf %sub3A_195 : vector<1x256xf32> to vector<1x256xbf16>
      %convert_element_type3A_197 = arith.truncf %add3A_188 : vector<1x256xf32> to vector<1x256xbf16>
      %convert_element_type3A_198 = arith.extf %convert_element_type3A_197 : vector<1x256xbf16> to vector<1x256xf32>
      %sub3A_199 = arith.subf %add3A_188, %convert_element_type3A_198 : vector<1x256xf32>
      %convert_element_type3A_200 = arith.truncf %sub3A_199 : vector<1x256xf32> to vector<1x256xbf16>
      %concatenate3A_201 = tpu.concatenate %convert_element_type3A_189, %convert_element_type3A_192, %convert_element_type3A_193, %convert_element_type3A_196, %convert_element_type3A_197, %convert_element_type3A_200, %convert_element_type3A_65, %convert_element_type3A_68, %convert_element_type3A_65, %convert_element_type3A_69, %convert_element_type3A_72, %convert_element_type3A_69, %convert_element_type3A_73, %convert_element_type3A_76, %convert_element_type3A_73, %broadcast_in_dim3A_78 in 0 : vector<1x256xbf16>, vector<1x256xbf16>, vector<1x256xbf16>, vector<1x256xbf16>, vector<1x256xbf16>, vector<1x256xbf16>, vector<1x256xbf16>, vector<1x256xbf16>, vector<1x256xbf16>, vector<1x256xbf16>, vector<1x256xbf16>, vector<1x256xbf16>, vector<1x256xbf16>, vector<1x256xbf16>, vector<1x256xbf16>, vector<1x256xbf16> -> vector<16x256xbf16>
      %sub3A_202 = arith.constant 1.760000e+02 : f32
      %sub3A_203 = vector.broadcast %sub3A_202 : f32 to vector<1x256xf32>
      %sub3A_204 = arith.subf %sub3A_203, %slice3A : vector<1x256xf32>
      %mul3A_205 = arith.mulf %slice3A_59, %sub3A_204 : vector<1x256xf32>
      %add3A_206 = arith.addf %mul3A_205, %mul3A_79 : vector<1x256xf32>
      %mul3A_207 = arith.mulf %add3A_206, %sub3A_204 : vector<1x256xf32>
      %add3A_208 = arith.addf %mul3A_207, %mul3A_82 : vector<1x256xf32>
      %mul3A_209 = arith.mulf %slice3A_62, %sub3A_204 : vector<1x256xf32>
      %add3A_210 = arith.addf %mul3A_209, %mul3A_79 : vector<1x256xf32>
      %mul3A_211 = arith.mulf %slice3A_61, %sub3A_204 : vector<1x256xf32>
      %add3A_212 = arith.addf %mul3A_80, %mul3A_211 : vector<1x256xf32>
      %convert_element_type3A_213 = arith.truncf %add3A_208 : vector<1x256xf32> to vector<1x256xbf16>
      %convert_element_type3A_214 = arith.extf %convert_element_type3A_213 : vector<1x256xbf16> to vector<1x256xf32>
      %sub3A_215 = arith.subf %add3A_208, %convert_element_type3A_214 : vector<1x256xf32>
      %convert_element_type3A_216 = arith.truncf %sub3A_215 : vector<1x256xf32> to vector<1x256xbf16>
      %convert_element_type3A_217 = arith.truncf %add3A_210 : vector<1x256xf32> to vector<1x256xbf16>
      %convert_element_type3A_218 = arith.extf %convert_element_type3A_217 : vector<1x256xbf16> to vector<1x256xf32>
      %sub3A_219 = arith.subf %add3A_210, %convert_element_type3A_218 : vector<1x256xf32>
      %convert_element_type3A_220 = arith.truncf %sub3A_219 : vector<1x256xf32> to vector<1x256xbf16>
      %convert_element_type3A_221 = arith.truncf %add3A_212 : vector<1x256xf32> to vector<1x256xbf16>
      %convert_element_type3A_222 = arith.extf %convert_element_type3A_221 : vector<1x256xbf16> to vector<1x256xf32>
      %sub3A_223 = arith.subf %add3A_212, %convert_element_type3A_222 : vector<1x256xf32>
      %convert_element_type3A_224 = arith.truncf %sub3A_223 : vector<1x256xf32> to vector<1x256xbf16>
      %concatenate3A_225 = tpu.concatenate %convert_element_type3A_213, %convert_element_type3A_216, %convert_element_type3A_217, %convert_element_type3A_220, %convert_element_type3A_221, %convert_element_type3A_224, %convert_element_type3A_65, %convert_element_type3A_68, %convert_element_type3A_65, %convert_element_type3A_69, %convert_element_type3A_72, %convert_element_type3A_69, %convert_element_type3A_73, %convert_element_type3A_76, %convert_element_type3A_73, %broadcast_in_dim3A_78 in 0 : vector<1x256xbf16>, vector<1x256xbf16>, vector<1x256xbf16>, vector<1x256xbf16>, vector<1x256xbf16>, vector<1x256xbf16>, vector<1x256xbf16>, vector<1x256xbf16>, vector<1x256xbf16>, vector<1x256xbf16>, vector<1x256xbf16>, vector<1x256xbf16>, vector<1x256xbf16>, vector<1x256xbf16>, vector<1x256xbf16>, vector<1x256xbf16> -> vector<16x256xbf16>
      %sub3A_226 = arith.constant 2.080000e+02 : f32
      %sub3A_227 = vector.broadcast %sub3A_226 : f32 to vector<1x256xf32>
      %sub3A_228 = arith.subf %sub3A_227, %slice3A : vector<1x256xf32>
      %mul3A_229 = arith.mulf %slice3A_59, %sub3A_228 : vector<1x256xf32>
      %add3A_230 = arith.addf %mul3A_229, %mul3A_79 : vector<1x256xf32>
      %mul3A_231 = arith.mulf %add3A_230, %sub3A_228 : vector<1x256xf32>
      %add3A_232 = arith.addf %mul3A_231, %mul3A_82 : vector<1x256xf32>
      %mul3A_233 = arith.mulf %slice3A_62, %sub3A_228 : vector<1x256xf32>
      %add3A_234 = arith.addf %mul3A_233, %mul3A_79 : vector<1x256xf32>
      %mul3A_235 = arith.mulf %slice3A_61, %sub3A_228 : vector<1x256xf32>
      %add3A_236 = arith.addf %mul3A_80, %mul3A_235 : vector<1x256xf32>
      %convert_element_type3A_237 = arith.truncf %add3A_232 : vector<1x256xf32> to vector<1x256xbf16>
      %convert_element_type3A_238 = arith.extf %convert_element_type3A_237 : vector<1x256xbf16> to vector<1x256xf32>
      %sub3A_239 = arith.subf %add3A_232, %convert_element_type3A_238 : vector<1x256xf32>
      %convert_element_type3A_240 = arith.truncf %sub3A_239 : vector<1x256xf32> to vector<1x256xbf16>
      %convert_element_type3A_241 = arith.truncf %add3A_234 : vector<1x256xf32> to vector<1x256xbf16>
      %convert_element_type3A_242 = arith.extf %convert_element_type3A_241 : vector<1x256xbf16> to vector<1x256xf32>
      %sub3A_243 = arith.subf %add3A_234, %convert_element_type3A_242 : vector<1x256xf32>
      %convert_element_type3A_244 = arith.truncf %sub3A_243 : vector<1x256xf32> to vector<1x256xbf16>
      %convert_element_type3A_245 = arith.truncf %add3A_236 : vector<1x256xf32> to vector<1x256xbf16>
      %convert_element_type3A_246 = arith.extf %convert_element_type3A_245 : vector<1x256xbf16> to vector<1x256xf32>
      %sub3A_247 = arith.subf %add3A_236, %convert_element_type3A_246 : vector<1x256xf32>
      %convert_element_type3A_248 = arith.truncf %sub3A_247 : vector<1x256xf32> to vector<1x256xbf16>
      %concatenate3A_249 = tpu.concatenate %convert_element_type3A_237, %convert_element_type3A_240, %convert_element_type3A_241, %convert_element_type3A_244, %convert_element_type3A_245, %convert_element_type3A_248, %convert_element_type3A_65, %convert_element_type3A_68, %convert_element_type3A_65, %convert_element_type3A_69, %convert_element_type3A_72, %convert_element_type3A_69, %convert_element_type3A_73, %convert_element_type3A_76, %convert_element_type3A_73, %broadcast_in_dim3A_78 in 0 : vector<1x256xbf16>, vector<1x256xbf16>, vector<1x256xbf16>, vector<1x256xbf16>, vector<1x256xbf16>, vector<1x256xbf16>, vector<1x256xbf16>, vector<1x256xbf16>, vector<1x256xbf16>, vector<1x256xbf16>, vector<1x256xbf16>, vector<1x256xbf16>, vector<1x256xbf16>, vector<1x256xbf16>, vector<1x256xbf16>, vector<1x256xbf16> -> vector<16x256xbf16>
      %sub3A_250 = arith.constant 2.400000e+02 : f32
      %sub3A_251 = vector.broadcast %sub3A_250 : f32 to vector<1x256xf32>
      %sub3A_252 = arith.subf %sub3A_251, %slice3A : vector<1x256xf32>
      %mul3A_253 = arith.mulf %slice3A_59, %sub3A_252 : vector<1x256xf32>
      %add3A_254 = arith.addf %mul3A_253, %mul3A_79 : vector<1x256xf32>
      %mul3A_255 = arith.mulf %add3A_254, %sub3A_252 : vector<1x256xf32>
      %add3A_256 = arith.addf %mul3A_255, %mul3A_82 : vector<1x256xf32>
      %mul3A_257 = arith.mulf %slice3A_62, %sub3A_252 : vector<1x256xf32>
      %add3A_258 = arith.addf %mul3A_257, %mul3A_79 : vector<1x256xf32>
      %mul3A_259 = arith.mulf %slice3A_61, %sub3A_252 : vector<1x256xf32>
      %add3A_260 = arith.addf %mul3A_80, %mul3A_259 : vector<1x256xf32>
      %convert_element_type3A_261 = arith.truncf %add3A_256 : vector<1x256xf32> to vector<1x256xbf16>
      %convert_element_type3A_262 = arith.extf %convert_element_type3A_261 : vector<1x256xbf16> to vector<1x256xf32>
      %sub3A_263 = arith.subf %add3A_256, %convert_element_type3A_262 : vector<1x256xf32>
      %convert_element_type3A_264 = arith.truncf %sub3A_263 : vector<1x256xf32> to vector<1x256xbf16>
      %convert_element_type3A_265 = arith.truncf %add3A_258 : vector<1x256xf32> to vector<1x256xbf16>
      %convert_element_type3A_266 = arith.extf %convert_element_type3A_265 : vector<1x256xbf16> to vector<1x256xf32>
      %sub3A_267 = arith.subf %add3A_258, %convert_element_type3A_266 : vector<1x256xf32>
      %convert_element_type3A_268 = arith.truncf %sub3A_267 : vector<1x256xf32> to vector<1x256xbf16>
      %convert_element_type3A_269 = arith.truncf %add3A_260 : vector<1x256xf32> to vector<1x256xbf16>
      %convert_element_type3A_270 = arith.extf %convert_element_type3A_269 : vector<1x256xbf16> to vector<1x256xf32>
      %sub3A_271 = arith.subf %add3A_260, %convert_element_type3A_270 : vector<1x256xf32>
      %convert_element_type3A_272 = arith.truncf %sub3A_271 : vector<1x256xf32> to vector<1x256xbf16>
      %concatenate3A_273 = tpu.concatenate %convert_element_type3A_261, %convert_element_type3A_264, %convert_element_type3A_265, %convert_element_type3A_268, %convert_element_type3A_269, %convert_element_type3A_272, %convert_element_type3A_65, %convert_element_type3A_68, %convert_element_type3A_65, %convert_element_type3A_69, %convert_element_type3A_72, %convert_element_type3A_69, %convert_element_type3A_73, %convert_element_type3A_76, %convert_element_type3A_73, %broadcast_in_dim3A_78 in 0 : vector<1x256xbf16>, vector<1x256xbf16>, vector<1x256xbf16>, vector<1x256xbf16>, vector<1x256xbf16>, vector<1x256xbf16>, vector<1x256xbf16>, vector<1x256xbf16>, vector<1x256xbf16>, vector<1x256xbf16>, vector<1x256xbf16>, vector<1x256xbf16>, vector<1x256xbf16>, vector<1x256xbf16>, vector<1x256xbf16>, vector<1x256xbf16> -> vector<16x256xbf16>
      %concatenate3A_274 = tpu.concatenate %concatenate3A, %concatenate3A_129, %concatenate3A_153, %concatenate3A_177, %concatenate3A_201, %concatenate3A_225, %concatenate3A_249, %concatenate3A_273 in 1 : vector<16x256xbf16>, vector<16x256xbf16>, vector<16x256xbf16>, vector<16x256xbf16>, vector<16x256xbf16>, vector<16x256xbf16>, vector<16x256xbf16>, vector<16x256xbf16> -> vector<16x2048xbf16>
      %dot_general3A = arith.constant dense<0.000000e+00> : vector<1024x2048xf32>
      %dot_general3A_275 = tpu.matmul %get3A_6, %concatenate3A_274, %dot_general3A {dimension_numbers = #tpu.dot_dimension_numbers<[1], [0], [0], [1], [0, 0, 1, 1], [], []>, transpose_lhs_hint = false} : vector<1024x16xbf16>, vector<16x2048xbf16>, vector<1024x2048xf32> -> vector<1024x2048xf32>
      %exp23A = math.exp2 %dot_general3A_275 : vector<1024x2048xf32>
      %convert_element_type3A_276 = arith.truncf %exp23A : vector<1024x2048xf32> to vector<1024x2048xbf16>
      %mul3A_277 = arith.constant 256 : i32
      %mul3A_278 = arith.muli %while3A_51, %mul3A_277 : i32
      %get3A_279 = arith.index_cast %mul3A_278 : i32 to index
      %get3A_280 = arith.constant 0 : index
      %get3A_281 = vector.load %arg6[%get3A_279, %get3A_280] : memref<4096x8xbf16, #tpu.memory_space<vmem>>, vector<256x8xbf16>
      %slice3A_282 = vector.extract_strided_slice %convert_element_type3A_276 {offsets = [0, 0], sizes = [1024, 256], strides = [1, 1]} : vector<1024x2048xbf16> to vector<1024x256xbf16>
      %dot_general3A_283 = arith.constant dense<0.000000e+00> : vector<1024x8xf32>
      %dot_general3A_284 = tpu.matmul %slice3A_282, %get3A_281, %dot_general3A_283 {dimension_numbers = #tpu.dot_dimension_numbers<[1], [0], [0], [1], [0, 0, 1, 1], [], []>, transpose_lhs_hint = false} : vector<1024x256xbf16>, vector<256x8xbf16>, vector<1024x8xf32> -> vector<1024x8xf32>
      %slice3A_285 = vector.extract_strided_slice %convert_element_type3A_276 {offsets = [0, 256], sizes = [1024, 256], strides = [1, 1]} : vector<1024x2048xbf16> to vector<1024x256xbf16>
      %dot_general3A_286 = arith.constant dense<0.000000e+00> : vector<1024x8xf32>
      %dot_general3A_287 = tpu.matmul %slice3A_285, %get3A_281, %dot_general3A_286 {dimension_numbers = #tpu.dot_dimension_numbers<[1], [0], [0], [1], [0, 0, 1, 1], [], []>, transpose_lhs_hint = false} : vector<1024x256xbf16>, vector<256x8xbf16>, vector<1024x8xf32> -> vector<1024x8xf32>
      %slice3A_288 = vector.extract_strided_slice %convert_element_type3A_276 {offsets = [0, 512], sizes = [1024, 256], strides = [1, 1]} : vector<1024x2048xbf16> to vector<1024x256xbf16>
      %dot_general3A_289 = arith.constant dense<0.000000e+00> : vector<1024x8xf32>
      %dot_general3A_290 = tpu.matmul %slice3A_288, %get3A_281, %dot_general3A_289 {dimension_numbers = #tpu.dot_dimension_numbers<[1], [0], [0], [1], [0, 0, 1, 1], [], []>, transpose_lhs_hint = false} : vector<1024x256xbf16>, vector<256x8xbf16>, vector<1024x8xf32> -> vector<1024x8xf32>
      %slice3A_291 = vector.extract_strided_slice %convert_element_type3A_276 {offsets = [0, 768], sizes = [1024, 256], strides = [1, 1]} : vector<1024x2048xbf16> to vector<1024x256xbf16>
      %dot_general3A_292 = arith.constant dense<0.000000e+00> : vector<1024x8xf32>
      %dot_general3A_293 = tpu.matmul %slice3A_291, %get3A_281, %dot_general3A_292 {dimension_numbers = #tpu.dot_dimension_numbers<[1], [0], [0], [1], [0, 0, 1, 1], [], []>, transpose_lhs_hint = false} : vector<1024x256xbf16>, vector<256x8xbf16>, vector<1024x8xf32> -> vector<1024x8xf32>
      %slice3A_294 = vector.extract_strided_slice %convert_element_type3A_276 {offsets = [0, 1024], sizes = [1024, 256], strides = [1, 1]} : vector<1024x2048xbf16> to vector<1024x256xbf16>
      %dot_general3A_295 = arith.constant dense<0.000000e+00> : vector<1024x8xf32>
      %dot_general3A_296 = tpu.matmul %slice3A_294, %get3A_281, %dot_general3A_295 {dimension_numbers = #tpu.dot_dimension_numbers<[1], [0], [0], [1], [0, 0, 1, 1], [], []>, transpose_lhs_hint = false} : vector<1024x256xbf16>, vector<256x8xbf16>, vector<1024x8xf32> -> vector<1024x8xf32>
      %slice3A_297 = vector.extract_strided_slice %convert_element_type3A_276 {offsets = [0, 1280], sizes = [1024, 256], strides = [1, 1]} : vector<1024x2048xbf16> to vector<1024x256xbf16>
      %dot_general3A_298 = arith.constant dense<0.000000e+00> : vector<1024x8xf32>
      %dot_general3A_299 = tpu.matmul %slice3A_297, %get3A_281, %dot_general3A_298 {dimension_numbers = #tpu.dot_dimension_numbers<[1], [0], [0], [1], [0, 0, 1, 1], [], []>, transpose_lhs_hint = false} : vector<1024x256xbf16>, vector<256x8xbf16>, vector<1024x8xf32> -> vector<1024x8xf32>
      %slice3A_300 = vector.extract_strided_slice %convert_element_type3A_276 {offsets = [0, 1536], sizes = [1024, 256], strides = [1, 1]} : vector<1024x2048xbf16> to vector<1024x256xbf16>
      %dot_general3A_301 = arith.constant dense<0.000000e+00> : vector<1024x8xf32>
      %dot_general3A_302 = tpu.matmul %slice3A_300, %get3A_281, %dot_general3A_301 {dimension_numbers = #tpu.dot_dimension_numbers<[1], [0], [0], [1], [0, 0, 1, 1], [], []>, transpose_lhs_hint = false} : vector<1024x256xbf16>, vector<256x8xbf16>, vector<1024x8xf32> -> vector<1024x8xf32>
      %slice3A_303 = vector.extract_strided_slice %convert_element_type3A_276 {offsets = [0, 1792], sizes = [1024, 256], strides = [1, 1]} : vector<1024x2048xbf16> to vector<1024x256xbf16>
      %dot_general3A_304 = arith.constant dense<0.000000e+00> : vector<1024x8xf32>
      %dot_general3A_305 = tpu.matmul %slice3A_303, %get3A_281, %dot_general3A_304 {dimension_numbers = #tpu.dot_dimension_numbers<[1], [0], [0], [1], [0, 0, 1, 1], [], []>, transpose_lhs_hint = false} : vector<1024x256xbf16>, vector<256x8xbf16>, vector<1024x8xf32> -> vector<1024x8xf32>
      %concatenate3A_306 = tpu.concatenate %dot_general3A_284, %dot_general3A_287, %dot_general3A_290, %dot_general3A_293, %dot_general3A_296, %dot_general3A_299, %dot_general3A_302, %dot_general3A_305 in 1 : vector<1024x8xf32>, vector<1024x8xf32>, vector<1024x8xf32>, vector<1024x8xf32>, vector<1024x8xf32>, vector<1024x8xf32>, vector<1024x8xf32>, vector<1024x8xf32> -> vector<1024x64xf32>
      %add3A_307 = arith.addf %while3A_52, %concatenate3A_306 : vector<1024x64xf32>
      scf.yield %add3A_307 : vector<1024x64xf32>
    }
    %while3A_21 = arith.constant 1 : i32
    %while3A_22 = scf.for %while3A_51 = %while3A_18 to %while3A_14 step %while3A_21 iter_args(%while3A_52 = %while3A_20) -> (vector<1024x64xf32>)  : i32 {
      %mul3A_53 = arith.constant 256 : i32
      %mul3A_54 = arith.muli %while3A_51, %mul3A_53 : i32
      %get3A_55 = arith.constant 0 : index
      %get3A_56 = arith.index_cast %mul3A_54 : i32 to index
      %get3A_57 = vector.load %arg5[%get3A_55, %get3A_56] : memref<8x4096xf32, #tpu.memory_space<vmem>>, vector<8x256xf32>
      %slice3A = vector.extract_strided_slice %get3A_57 {offsets = [0, 0], sizes = [1, 256], strides = [1, 1]} : vector<8x256xf32> to vector<1x256xf32>
      %slice3A_58 = vector.extract_strided_slice %get3A_57 {offsets = [1, 0], sizes = [1, 256], strides = [1, 1]} : vector<8x256xf32> to vector<1x256xf32>
      %slice3A_59 = vector.extract_strided_slice %get3A_57 {offsets = [2, 0], sizes = [1, 256], strides = [1, 1]} : vector<8x256xf32> to vector<1x256xf32>
      %slice3A_60 = vector.extract_strided_slice %get3A_57 {offsets = [3, 0], sizes = [1, 256], strides = [1, 1]} : vector<8x256xf32> to vector<1x256xf32>
      %slice3A_61 = vector.extract_strided_slice %get3A_57 {offsets = [4, 0], sizes = [1, 256], strides = [1, 1]} : vector<8x256xf32> to vector<1x256xf32>
      %slice3A_62 = vector.extract_strided_slice %get3A_57 {offsets = [5, 0], sizes = [1, 256], strides = [1, 1]} : vector<8x256xf32> to vector<1x256xf32>
      %slice3A_63 = vector.extract_strided_slice %get3A_57 {offsets = [6, 0], sizes = [1, 256], strides = [1, 1]} : vector<8x256xf32> to vector<1x256xf32>
      %sub3A = vector.broadcast %convert_element_type3A_4 : f32 to vector<1x256xf32>
      %sub3A_64 = arith.subf %sub3A, %slice3A_58 : vector<1x256xf32>
      %convert_element_type3A_65 = arith.truncf %slice3A_59 : vector<1x256xf32> to vector<1x256xbf16>
      %convert_element_type3A_66 = arith.extf %convert_element_type3A_65 : vector<1x256xbf16> to vector<1x256xf32>
      %sub3A_67 = arith.subf %slice3A_59, %convert_element_type3A_66 : vector<1x256xf32>
      %convert_element_type3A_68 = arith.truncf %sub3A_67 : vector<1x256xf32> to vector<1x256xbf16>
      %convert_element_type3A_69 = arith.truncf %slice3A_60 : vector<1x256xf32> to vector<1x256xbf16>
      %convert_element_type3A_70 = arith.extf %convert_element_type3A_69 : vector<1x256xbf16> to vector<1x256xf32>
      %sub3A_71 = arith.subf %slice3A_60, %convert_element_type3A_70 : vector<1x256xf32>
      %convert_element_type3A_72 = arith.truncf %sub3A_71 : vector<1x256xf32> to vector<1x256xbf16>
      %convert_element_type3A_73 = arith.truncf %slice3A_61 : vector<1x256xf32> to vector<1x256xbf16>
      %convert_element_type3A_74 = arith.extf %convert_element_type3A_73 : vector<1x256xbf16> to vector<1x256xf32>
      %sub3A_75 = arith.subf %slice3A_61, %convert_element_type3A_74 : vector<1x256xf32>
      %convert_element_type3A_76 = arith.truncf %sub3A_75 : vector<1x256xf32> to vector<1x256xbf16>
      %broadcast_in_dim3A_77 = arith.constant 0.000000e+00 : bf16
      %broadcast_in_dim3A_78 = vector.broadcast %broadcast_in_dim3A_77 : bf16 to vector<1x256xbf16>
      %mul3A_79 = arith.mulf %slice3A_61, %sub3A_64 : vector<1x256xf32>
      %mul3A_80 = arith.mulf %slice3A_63, %sub3A_64 : vector<1x256xf32>
      %mul3A_81 = arith.mulf %slice3A_60, %sub3A_64 : vector<1x256xf32>
      %mul3A_82 = arith.mulf %mul3A_81, %sub3A_64 : vector<1x256xf32>
      %sub3A_83 = arith.constant 1.600000e+01 : f32
      %sub3A_84 = vector.broadcast %sub3A_83 : f32 to vector<1x256xf32>
      %sub3A_85 = arith.subf %sub3A_84, %slice3A : vector<1x256xf32>
      %mul3A_86 = arith.mulf %slice3A_59, %sub3A_85 : vector<1x256xf32>
      %add3A_87 = arith.addf %mul3A_86, %mul3A_79 : vector<1x256xf32>
      %mul3A_88 = arith.mulf %add3A_87, %sub3A_85 : vector<1x256xf32>
      %add3A_89 = arith.addf %mul3A_88, %mul3A_82 : vector<1x256xf32>
      %mul3A_90 = arith.mulf %slice3A_62, %sub3A_85 : vector<1x256xf32>
      %add3A_91 = arith.addf %mul3A_90, %mul3A_79 : vector<1x256xf32>
      %mul3A_92 = arith.mulf %slice3A_61, %sub3A_85 : vector<1x256xf32>
      %add3A_93 = arith.addf %mul3A_80, %mul3A_92 : vector<1x256xf32>
      %convert_element_type3A_94 = arith.truncf %add3A_89 : vector<1x256xf32> to vector<1x256xbf16>
      %convert_element_type3A_95 = arith.extf %convert_element_type3A_94 : vector<1x256xbf16> to vector<1x256xf32>
      %sub3A_96 = arith.subf %add3A_89, %convert_element_type3A_95 : vector<1x256xf32>
      %convert_element_type3A_97 = arith.truncf %sub3A_96 : vector<1x256xf32> to vector<1x256xbf16>
      %convert_element_type3A_98 = arith.truncf %add3A_91 : vector<1x256xf32> to vector<1x256xbf16>
      %convert_element_type3A_99 = arith.extf %convert_element_type3A_98 : vector<1x256xbf16> to vector<1x256xf32>
      %sub3A_100 = arith.subf %add3A_91, %convert_element_type3A_99 : vector<1x256xf32>
      %convert_element_type3A_101 = arith.truncf %sub3A_100 : vector<1x256xf32> to vector<1x256xbf16>
      %convert_element_type3A_102 = arith.truncf %add3A_93 : vector<1x256xf32> to vector<1x256xbf16>
      %convert_element_type3A_103 = arith.extf %convert_element_type3A_102 : vector<1x256xbf16> to vector<1x256xf32>
      %sub3A_104 = arith.subf %add3A_93, %convert_element_type3A_103 : vector<1x256xf32>
      %convert_element_type3A_105 = arith.truncf %sub3A_104 : vector<1x256xf32> to vector<1x256xbf16>
      %concatenate3A = tpu.concatenate %convert_element_type3A_94, %convert_element_type3A_97, %convert_element_type3A_98, %convert_element_type3A_101, %convert_element_type3A_102, %convert_element_type3A_105, %convert_element_type3A_65, %convert_element_type3A_68, %convert_element_type3A_65, %convert_element_type3A_69, %convert_element_type3A_72, %convert_element_type3A_69, %convert_element_type3A_73, %convert_element_type3A_76, %convert_element_type3A_73, %broadcast_in_dim3A_78 in 0 : vector<1x256xbf16>, vector<1x256xbf16>, vector<1x256xbf16>, vector<1x256xbf16>, vector<1x256xbf16>, vector<1x256xbf16>, vector<1x256xbf16>, vector<1x256xbf16>, vector<1x256xbf16>, vector<1x256xbf16>, vector<1x256xbf16>, vector<1x256xbf16>, vector<1x256xbf16>, vector<1x256xbf16>, vector<1x256xbf16>, vector<1x256xbf16> -> vector<16x256xbf16>
      %sub3A_106 = arith.constant 4.800000e+01 : f32
      %sub3A_107 = vector.broadcast %sub3A_106 : f32 to vector<1x256xf32>
      %sub3A_108 = arith.subf %sub3A_107, %slice3A : vector<1x256xf32>
      %mul3A_109 = arith.mulf %slice3A_59, %sub3A_108 : vector<1x256xf32>
      %add3A_110 = arith.addf %mul3A_109, %mul3A_79 : vector<1x256xf32>
      %mul3A_111 = arith.mulf %add3A_110, %sub3A_108 : vector<1x256xf32>
      %add3A_112 = arith.addf %mul3A_111, %mul3A_82 : vector<1x256xf32>
      %mul3A_113 = arith.mulf %slice3A_62, %sub3A_108 : vector<1x256xf32>
      %add3A_114 = arith.addf %mul3A_113, %mul3A_79 : vector<1x256xf32>
      %mul3A_115 = arith.mulf %slice3A_61, %sub3A_108 : vector<1x256xf32>
      %add3A_116 = arith.addf %mul3A_80, %mul3A_115 : vector<1x256xf32>
      %convert_element_type3A_117 = arith.truncf %add3A_112 : vector<1x256xf32> to vector<1x256xbf16>
      %convert_element_type3A_118 = arith.extf %convert_element_type3A_117 : vector<1x256xbf16> to vector<1x256xf32>
      %sub3A_119 = arith.subf %add3A_112, %convert_element_type3A_118 : vector<1x256xf32>
      %convert_element_type3A_120 = arith.truncf %sub3A_119 : vector<1x256xf32> to vector<1x256xbf16>
      %convert_element_type3A_121 = arith.truncf %add3A_114 : vector<1x256xf32> to vector<1x256xbf16>
      %convert_element_type3A_122 = arith.extf %convert_element_type3A_121 : vector<1x256xbf16> to vector<1x256xf32>
      %sub3A_123 = arith.subf %add3A_114, %convert_element_type3A_122 : vector<1x256xf32>
      %convert_element_type3A_124 = arith.truncf %sub3A_123 : vector<1x256xf32> to vector<1x256xbf16>
      %convert_element_type3A_125 = arith.truncf %add3A_116 : vector<1x256xf32> to vector<1x256xbf16>
      %convert_element_type3A_126 = arith.extf %convert_element_type3A_125 : vector<1x256xbf16> to vector<1x256xf32>
      %sub3A_127 = arith.subf %add3A_116, %convert_element_type3A_126 : vector<1x256xf32>
      %convert_element_type3A_128 = arith.truncf %sub3A_127 : vector<1x256xf32> to vector<1x256xbf16>
      %concatenate3A_129 = tpu.concatenate %convert_element_type3A_117, %convert_element_type3A_120, %convert_element_type3A_121, %convert_element_type3A_124, %convert_element_type3A_125, %convert_element_type3A_128, %convert_element_type3A_65, %convert_element_type3A_68, %convert_element_type3A_65, %convert_element_type3A_69, %convert_element_type3A_72, %convert_element_type3A_69, %convert_element_type3A_73, %convert_element_type3A_76, %convert_element_type3A_73, %broadcast_in_dim3A_78 in 0 : vector<1x256xbf16>, vector<1x256xbf16>, vector<1x256xbf16>, vector<1x256xbf16>, vector<1x256xbf16>, vector<1x256xbf16>, vector<1x256xbf16>, vector<1x256xbf16>, vector<1x256xbf16>, vector<1x256xbf16>, vector<1x256xbf16>, vector<1x256xbf16>, vector<1x256xbf16>, vector<1x256xbf16>, vector<1x256xbf16>, vector<1x256xbf16> -> vector<16x256xbf16>
      %sub3A_130 = arith.constant 8.000000e+01 : f32
      %sub3A_131 = vector.broadcast %sub3A_130 : f32 to vector<1x256xf32>
      %sub3A_132 = arith.subf %sub3A_131, %slice3A : vector<1x256xf32>
      %mul3A_133 = arith.mulf %slice3A_59, %sub3A_132 : vector<1x256xf32>
      %add3A_134 = arith.addf %mul3A_133, %mul3A_79 : vector<1x256xf32>
      %mul3A_135 = arith.mulf %add3A_134, %sub3A_132 : vector<1x256xf32>
      %add3A_136 = arith.addf %mul3A_135, %mul3A_82 : vector<1x256xf32>
      %mul3A_137 = arith.mulf %slice3A_62, %sub3A_132 : vector<1x256xf32>
      %add3A_138 = arith.addf %mul3A_137, %mul3A_79 : vector<1x256xf32>
      %mul3A_139 = arith.mulf %slice3A_61, %sub3A_132 : vector<1x256xf32>
      %add3A_140 = arith.addf %mul3A_80, %mul3A_139 : vector<1x256xf32>
      %convert_element_type3A_141 = arith.truncf %add3A_136 : vector<1x256xf32> to vector<1x256xbf16>
      %convert_element_type3A_142 = arith.extf %convert_element_type3A_141 : vector<1x256xbf16> to vector<1x256xf32>
      %sub3A_143 = arith.subf %add3A_136, %convert_element_type3A_142 : vector<1x256xf32>
      %convert_element_type3A_144 = arith.truncf %sub3A_143 : vector<1x256xf32> to vector<1x256xbf16>
      %convert_element_type3A_145 = arith.truncf %add3A_138 : vector<1x256xf32> to vector<1x256xbf16>
      %convert_element_type3A_146 = arith.extf %convert_element_type3A_145 : vector<1x256xbf16> to vector<1x256xf32>
      %sub3A_147 = arith.subf %add3A_138, %convert_element_type3A_146 : vector<1x256xf32>
      %convert_element_type3A_148 = arith.truncf %sub3A_147 : vector<1x256xf32> to vector<1x256xbf16>
      %convert_element_type3A_149 = arith.truncf %add3A_140 : vector<1x256xf32> to vector<1x256xbf16>
      %convert_element_type3A_150 = arith.extf %convert_element_type3A_149 : vector<1x256xbf16> to vector<1x256xf32>
      %sub3A_151 = arith.subf %add3A_140, %convert_element_type3A_150 : vector<1x256xf32>
      %convert_element_type3A_152 = arith.truncf %sub3A_151 : vector<1x256xf32> to vector<1x256xbf16>
      %concatenate3A_153 = tpu.concatenate %convert_element_type3A_141, %convert_element_type3A_144, %convert_element_type3A_145, %convert_element_type3A_148, %convert_element_type3A_149, %convert_element_type3A_152, %convert_element_type3A_65, %convert_element_type3A_68, %convert_element_type3A_65, %convert_element_type3A_69, %convert_element_type3A_72, %convert_element_type3A_69, %convert_element_type3A_73, %convert_element_type3A_76, %convert_element_type3A_73, %broadcast_in_dim3A_78 in 0 : vector<1x256xbf16>, vector<1x256xbf16>, vector<1x256xbf16>, vector<1x256xbf16>, vector<1x256xbf16>, vector<1x256xbf16>, vector<1x256xbf16>, vector<1x256xbf16>, vector<1x256xbf16>, vector<1x256xbf16>, vector<1x256xbf16>, vector<1x256xbf16>, vector<1x256xbf16>, vector<1x256xbf16>, vector<1x256xbf16>, vector<1x256xbf16> -> vector<16x256xbf16>
      %sub3A_154 = arith.constant 1.120000e+02 : f32
      %sub3A_155 = vector.broadcast %sub3A_154 : f32 to vector<1x256xf32>
      %sub3A_156 = arith.subf %sub3A_155, %slice3A : vector<1x256xf32>
      %mul3A_157 = arith.mulf %slice3A_59, %sub3A_156 : vector<1x256xf32>
      %add3A_158 = arith.addf %mul3A_157, %mul3A_79 : vector<1x256xf32>
      %mul3A_159 = arith.mulf %add3A_158, %sub3A_156 : vector<1x256xf32>
      %add3A_160 = arith.addf %mul3A_159, %mul3A_82 : vector<1x256xf32>
      %mul3A_161 = arith.mulf %slice3A_62, %sub3A_156 : vector<1x256xf32>
      %add3A_162 = arith.addf %mul3A_161, %mul3A_79 : vector<1x256xf32>
      %mul3A_163 = arith.mulf %slice3A_61, %sub3A_156 : vector<1x256xf32>
      %add3A_164 = arith.addf %mul3A_80, %mul3A_163 : vector<1x256xf32>
      %convert_element_type3A_165 = arith.truncf %add3A_160 : vector<1x256xf32> to vector<1x256xbf16>
      %convert_element_type3A_166 = arith.extf %convert_element_type3A_165 : vector<1x256xbf16> to vector<1x256xf32>
      %sub3A_167 = arith.subf %add3A_160, %convert_element_type3A_166 : vector<1x256xf32>
      %convert_element_type3A_168 = arith.truncf %sub3A_167 : vector<1x256xf32> to vector<1x256xbf16>
      %convert_element_type3A_169 = arith.truncf %add3A_162 : vector<1x256xf32> to vector<1x256xbf16>
      %convert_element_type3A_170 = arith.extf %convert_element_type3A_169 : vector<1x256xbf16> to vector<1x256xf32>
      %sub3A_171 = arith.subf %add3A_162, %convert_element_type3A_170 : vector<1x256xf32>
      %convert_element_type3A_172 = arith.truncf %sub3A_171 : vector<1x256xf32> to vector<1x256xbf16>
      %convert_element_type3A_173 = arith.truncf %add3A_164 : vector<1x256xf32> to vector<1x256xbf16>
      %convert_element_type3A_174 = arith.extf %convert_element_type3A_173 : vector<1x256xbf16> to vector<1x256xf32>
      %sub3A_175 = arith.subf %add3A_164, %convert_element_type3A_174 : vector<1x256xf32>
      %convert_element_type3A_176 = arith.truncf %sub3A_175 : vector<1x256xf32> to vector<1x256xbf16>
      %concatenate3A_177 = tpu.concatenate %convert_element_type3A_165, %convert_element_type3A_168, %convert_element_type3A_169, %convert_element_type3A_172, %convert_element_type3A_173, %convert_element_type3A_176, %convert_element_type3A_65, %convert_element_type3A_68, %convert_element_type3A_65, %convert_element_type3A_69, %convert_element_type3A_72, %convert_element_type3A_69, %convert_element_type3A_73, %convert_element_type3A_76, %convert_element_type3A_73, %broadcast_in_dim3A_78 in 0 : vector<1x256xbf16>, vector<1x256xbf16>, vector<1x256xbf16>, vector<1x256xbf16>, vector<1x256xbf16>, vector<1x256xbf16>, vector<1x256xbf16>, vector<1x256xbf16>, vector<1x256xbf16>, vector<1x256xbf16>, vector<1x256xbf16>, vector<1x256xbf16>, vector<1x256xbf16>, vector<1x256xbf16>, vector<1x256xbf16>, vector<1x256xbf16> -> vector<16x256xbf16>
      %sub3A_178 = arith.constant 1.440000e+02 : f32
      %sub3A_179 = vector.broadcast %sub3A_178 : f32 to vector<1x256xf32>
      %sub3A_180 = arith.subf %sub3A_179, %slice3A : vector<1x256xf32>
      %mul3A_181 = arith.mulf %slice3A_59, %sub3A_180 : vector<1x256xf32>
      %add3A_182 = arith.addf %mul3A_181, %mul3A_79 : vector<1x256xf32>
      %mul3A_183 = arith.mulf %add3A_182, %sub3A_180 : vector<1x256xf32>
      %add3A_184 = arith.addf %mul3A_183, %mul3A_82 : vector<1x256xf32>
      %mul3A_185 = arith.mulf %slice3A_62, %sub3A_180 : vector<1x256xf32>
      %add3A_186 = arith.addf %mul3A_185, %mul3A_79 : vector<1x256xf32>
      %mul3A_187 = arith.mulf %slice3A_61, %sub3A_180 : vector<1x256xf32>
      %add3A_188 = arith.addf %mul3A_80, %mul3A_187 : vector<1x256xf32>
      %convert_element_type3A_189 = arith.truncf %add3A_184 : vector<1x256xf32> to vector<1x256xbf16>
      %convert_element_type3A_190 = arith.extf %convert_element_type3A_189 : vector<1x256xbf16> to vector<1x256xf32>
      %sub3A_191 = arith.subf %add3A_184, %convert_element_type3A_190 : vector<1x256xf32>
      %convert_element_type3A_192 = arith.truncf %sub3A_191 : vector<1x256xf32> to vector<1x256xbf16>
      %convert_element_type3A_193 = arith.truncf %add3A_186 : vector<1x256xf32> to vector<1x256xbf16>
      %convert_element_type3A_194 = arith.extf %convert_element_type3A_193 : vector<1x256xbf16> to vector<1x256xf32>
      %sub3A_195 = arith.subf %add3A_186, %convert_element_type3A_194 : vector<1x256xf32>
      %convert_element_type3A_196 = arith.truncf %sub3A_195 : vector<1x256xf32> to vector<1x256xbf16>
      %convert_element_type3A_197 = arith.truncf %add3A_188 : vector<1x256xf32> to vector<1x256xbf16>
      %convert_element_type3A_198 = arith.extf %convert_element_type3A_197 : vector<1x256xbf16> to vector<1x256xf32>
      %sub3A_199 = arith.subf %add3A_188, %convert_element_type3A_198 : vector<1x256xf32>
      %convert_element_type3A_200 = arith.truncf %sub3A_199 : vector<1x256xf32> to vector<1x256xbf16>
      %concatenate3A_201 = tpu.concatenate %convert_element_type3A_189, %convert_element_type3A_192, %convert_element_type3A_193, %convert_element_type3A_196, %convert_element_type3A_197, %convert_element_type3A_200, %convert_element_type3A_65, %convert_element_type3A_68, %convert_element_type3A_65, %convert_element_type3A_69, %convert_element_type3A_72, %convert_element_type3A_69, %convert_element_type3A_73, %convert_element_type3A_76, %convert_element_type3A_73, %broadcast_in_dim3A_78 in 0 : vector<1x256xbf16>, vector<1x256xbf16>, vector<1x256xbf16>, vector<1x256xbf16>, vector<1x256xbf16>, vector<1x256xbf16>, vector<1x256xbf16>, vector<1x256xbf16>, vector<1x256xbf16>, vector<1x256xbf16>, vector<1x256xbf16>, vector<1x256xbf16>, vector<1x256xbf16>, vector<1x256xbf16>, vector<1x256xbf16>, vector<1x256xbf16> -> vector<16x256xbf16>
      %sub3A_202 = arith.constant 1.760000e+02 : f32
      %sub3A_203 = vector.broadcast %sub3A_202 : f32 to vector<1x256xf32>
      %sub3A_204 = arith.subf %sub3A_203, %slice3A : vector<1x256xf32>
      %mul3A_205 = arith.mulf %slice3A_59, %sub3A_204 : vector<1x256xf32>
      %add3A_206 = arith.addf %mul3A_205, %mul3A_79 : vector<1x256xf32>
      %mul3A_207 = arith.mulf %add3A_206, %sub3A_204 : vector<1x256xf32>
      %add3A_208 = arith.addf %mul3A_207, %mul3A_82 : vector<1x256xf32>
      %mul3A_209 = arith.mulf %slice3A_62, %sub3A_204 : vector<1x256xf32>
      %add3A_210 = arith.addf %mul3A_209, %mul3A_79 : vector<1x256xf32>
      %mul3A_211 = arith.mulf %slice3A_61, %sub3A_204 : vector<1x256xf32>
      %add3A_212 = arith.addf %mul3A_80, %mul3A_211 : vector<1x256xf32>
      %convert_element_type3A_213 = arith.truncf %add3A_208 : vector<1x256xf32> to vector<1x256xbf16>
      %convert_element_type3A_214 = arith.extf %convert_element_type3A_213 : vector<1x256xbf16> to vector<1x256xf32>
      %sub3A_215 = arith.subf %add3A_208, %convert_element_type3A_214 : vector<1x256xf32>
      %convert_element_type3A_216 = arith.truncf %sub3A_215 : vector<1x256xf32> to vector<1x256xbf16>
      %convert_element_type3A_217 = arith.truncf %add3A_210 : vector<1x256xf32> to vector<1x256xbf16>
      %convert_element_type3A_218 = arith.extf %convert_element_type3A_217 : vector<1x256xbf16> to vector<1x256xf32>
      %sub3A_219 = arith.subf %add3A_210, %convert_element_type3A_218 : vector<1x256xf32>
      %convert_element_type3A_220 = arith.truncf %sub3A_219 : vector<1x256xf32> to vector<1x256xbf16>
      %convert_element_type3A_221 = arith.truncf %add3A_212 : vector<1x256xf32> to vector<1x256xbf16>
      %convert_element_type3A_222 = arith.extf %convert_element_type3A_221 : vector<1x256xbf16> to vector<1x256xf32>
      %sub3A_223 = arith.subf %add3A_212, %convert_element_type3A_222 : vector<1x256xf32>
      %convert_element_type3A_224 = arith.truncf %sub3A_223 : vector<1x256xf32> to vector<1x256xbf16>
      %concatenate3A_225 = tpu.concatenate %convert_element_type3A_213, %convert_element_type3A_216, %convert_element_type3A_217, %convert_element_type3A_220, %convert_element_type3A_221, %convert_element_type3A_224, %convert_element_type3A_65, %convert_element_type3A_68, %convert_element_type3A_65, %convert_element_type3A_69, %convert_element_type3A_72, %convert_element_type3A_69, %convert_element_type3A_73, %convert_element_type3A_76, %convert_element_type3A_73, %broadcast_in_dim3A_78 in 0 : vector<1x256xbf16>, vector<1x256xbf16>, vector<1x256xbf16>, vector<1x256xbf16>, vector<1x256xbf16>, vector<1x256xbf16>, vector<1x256xbf16>, vector<1x256xbf16>, vector<1x256xbf16>, vector<1x256xbf16>, vector<1x256xbf16>, vector<1x256xbf16>, vector<1x256xbf16>, vector<1x256xbf16>, vector<1x256xbf16>, vector<1x256xbf16> -> vector<16x256xbf16>
      %sub3A_226 = arith.constant 2.080000e+02 : f32
      %sub3A_227 = vector.broadcast %sub3A_226 : f32 to vector<1x256xf32>
      %sub3A_228 = arith.subf %sub3A_227, %slice3A : vector<1x256xf32>
      %mul3A_229 = arith.mulf %slice3A_59, %sub3A_228 : vector<1x256xf32>
      %add3A_230 = arith.addf %mul3A_229, %mul3A_79 : vector<1x256xf32>
      %mul3A_231 = arith.mulf %add3A_230, %sub3A_228 : vector<1x256xf32>
      %add3A_232 = arith.addf %mul3A_231, %mul3A_82 : vector<1x256xf32>
      %mul3A_233 = arith.mulf %slice3A_62, %sub3A_228 : vector<1x256xf32>
      %add3A_234 = arith.addf %mul3A_233, %mul3A_79 : vector<1x256xf32>
      %mul3A_235 = arith.mulf %slice3A_61, %sub3A_228 : vector<1x256xf32>
      %add3A_236 = arith.addf %mul3A_80, %mul3A_235 : vector<1x256xf32>
      %convert_element_type3A_237 = arith.truncf %add3A_232 : vector<1x256xf32> to vector<1x256xbf16>
      %convert_element_type3A_238 = arith.extf %convert_element_type3A_237 : vector<1x256xbf16> to vector<1x256xf32>
      %sub3A_239 = arith.subf %add3A_232, %convert_element_type3A_238 : vector<1x256xf32>
      %convert_element_type3A_240 = arith.truncf %sub3A_239 : vector<1x256xf32> to vector<1x256xbf16>
      %convert_element_type3A_241 = arith.truncf %add3A_234 : vector<1x256xf32> to vector<1x256xbf16>
      %convert_element_type3A_242 = arith.extf %convert_element_type3A_241 : vector<1x256xbf16> to vector<1x256xf32>
      %sub3A_243 = arith.subf %add3A_234, %convert_element_type3A_242 : vector<1x256xf32>
      %convert_element_type3A_244 = arith.truncf %sub3A_243 : vector<1x256xf32> to vector<1x256xbf16>
      %convert_element_type3A_245 = arith.truncf %add3A_236 : vector<1x256xf32> to vector<1x256xbf16>
      %convert_element_type3A_246 = arith.extf %convert_element_type3A_245 : vector<1x256xbf16> to vector<1x256xf32>
      %sub3A_247 = arith.subf %add3A_236, %convert_element_type3A_246 : vector<1x256xf32>
      %convert_element_type3A_248 = arith.truncf %sub3A_247 : vector<1x256xf32> to vector<1x256xbf16>
      %concatenate3A_249 = tpu.concatenate %convert_element_type3A_237, %convert_element_type3A_240, %convert_element_type3A_241, %convert_element_type3A_244, %convert_element_type3A_245, %convert_element_type3A_248, %convert_element_type3A_65, %convert_element_type3A_68, %convert_element_type3A_65, %convert_element_type3A_69, %convert_element_type3A_72, %convert_element_type3A_69, %convert_element_type3A_73, %convert_element_type3A_76, %convert_element_type3A_73, %broadcast_in_dim3A_78 in 0 : vector<1x256xbf16>, vector<1x256xbf16>, vector<1x256xbf16>, vector<1x256xbf16>, vector<1x256xbf16>, vector<1x256xbf16>, vector<1x256xbf16>, vector<1x256xbf16>, vector<1x256xbf16>, vector<1x256xbf16>, vector<1x256xbf16>, vector<1x256xbf16>, vector<1x256xbf16>, vector<1x256xbf16>, vector<1x256xbf16>, vector<1x256xbf16> -> vector<16x256xbf16>
      %sub3A_250 = arith.constant 2.400000e+02 : f32
      %sub3A_251 = vector.broadcast %sub3A_250 : f32 to vector<1x256xf32>
      %sub3A_252 = arith.subf %sub3A_251, %slice3A : vector<1x256xf32>
      %mul3A_253 = arith.mulf %slice3A_59, %sub3A_252 : vector<1x256xf32>
      %add3A_254 = arith.addf %mul3A_253, %mul3A_79 : vector<1x256xf32>
      %mul3A_255 = arith.mulf %add3A_254, %sub3A_252 : vector<1x256xf32>
      %add3A_256 = arith.addf %mul3A_255, %mul3A_82 : vector<1x256xf32>
      %mul3A_257 = arith.mulf %slice3A_62, %sub3A_252 : vector<1x256xf32>
      %add3A_258 = arith.addf %mul3A_257, %mul3A_79 : vector<1x256xf32>
      %mul3A_259 = arith.mulf %slice3A_61, %sub3A_252 : vector<1x256xf32>
      %add3A_260 = arith.addf %mul3A_80, %mul3A_259 : vector<1x256xf32>
      %convert_element_type3A_261 = arith.truncf %add3A_256 : vector<1x256xf32> to vector<1x256xbf16>
      %convert_element_type3A_262 = arith.extf %convert_element_type3A_261 : vector<1x256xbf16> to vector<1x256xf32>
      %sub3A_263 = arith.subf %add3A_256, %convert_element_type3A_262 : vector<1x256xf32>
      %convert_element_type3A_264 = arith.truncf %sub3A_263 : vector<1x256xf32> to vector<1x256xbf16>
      %convert_element_type3A_265 = arith.truncf %add3A_258 : vector<1x256xf32> to vector<1x256xbf16>
      %convert_element_type3A_266 = arith.extf %convert_element_type3A_265 : vector<1x256xbf16> to vector<1x256xf32>
      %sub3A_267 = arith.subf %add3A_258, %convert_element_type3A_266 : vector<1x256xf32>
      %convert_element_type3A_268 = arith.truncf %sub3A_267 : vector<1x256xf32> to vector<1x256xbf16>
      %convert_element_type3A_269 = arith.truncf %add3A_260 : vector<1x256xf32> to vector<1x256xbf16>
      %convert_element_type3A_270 = arith.extf %convert_element_type3A_269 : vector<1x256xbf16> to vector<1x256xf32>
      %sub3A_271 = arith.subf %add3A_260, %convert_element_type3A_270 : vector<1x256xf32>
      %convert_element_type3A_272 = arith.truncf %sub3A_271 : vector<1x256xf32> to vector<1x256xbf16>
      %concatenate3A_273 = tpu.concatenate %convert_element_type3A_261, %convert_element_type3A_264, %convert_element_type3A_265, %convert_element_type3A_268, %convert_element_type3A_269, %convert_element_type3A_272, %convert_element_type3A_65, %convert_element_type3A_68, %convert_element_type3A_65, %convert_element_type3A_69, %convert_element_type3A_72, %convert_element_type3A_69, %convert_element_type3A_73, %convert_element_type3A_76, %convert_element_type3A_73, %broadcast_in_dim3A_78 in 0 : vector<1x256xbf16>, vector<1x256xbf16>, vector<1x256xbf16>, vector<1x256xbf16>, vector<1x256xbf16>, vector<1x256xbf16>, vector<1x256xbf16>, vector<1x256xbf16>, vector<1x256xbf16>, vector<1x256xbf16>, vector<1x256xbf16>, vector<1x256xbf16>, vector<1x256xbf16>, vector<1x256xbf16>, vector<1x256xbf16>, vector<1x256xbf16> -> vector<16x256xbf16>
      %concatenate3A_274 = tpu.concatenate %concatenate3A, %concatenate3A_129, %concatenate3A_153, %concatenate3A_177, %concatenate3A_201, %concatenate3A_225, %concatenate3A_249, %concatenate3A_273 in 1 : vector<16x256xbf16>, vector<16x256xbf16>, vector<16x256xbf16>, vector<16x256xbf16>, vector<16x256xbf16>, vector<16x256xbf16>, vector<16x256xbf16>, vector<16x256xbf16> -> vector<16x2048xbf16>
      %dot_general3A = arith.constant dense<0.000000e+00> : vector<1024x2048xf32>
      %dot_general3A_275 = tpu.matmul %get3A_6, %concatenate3A_274, %dot_general3A {dimension_numbers = #tpu.dot_dimension_numbers<[1], [0], [0], [1], [0, 0, 1, 1], [], []>, transpose_lhs_hint = false} : vector<1024x16xbf16>, vector<16x2048xbf16>, vector<1024x2048xf32> -> vector<1024x2048xf32>
      %exp23A = math.exp2 %dot_general3A_275 : vector<1024x2048xf32>
      %convert_element_type3A_276 = arith.truncf %exp23A : vector<1024x2048xf32> to vector<1024x2048xbf16>
      %mul3A_277 = arith.constant 256 : i32
      %mul3A_278 = arith.muli %while3A_51, %mul3A_277 : i32
      %get3A_279 = arith.index_cast %mul3A_278 : i32 to index
      %get3A_280 = arith.constant 0 : index
      %get3A_281 = vector.load %arg6[%get3A_279, %get3A_280] : memref<4096x8xbf16, #tpu.memory_space<vmem>>, vector<256x8xbf16>
      %slice3A_282 = vector.extract_strided_slice %convert_element_type3A_276 {offsets = [0, 0], sizes = [1024, 256], strides = [1, 1]} : vector<1024x2048xbf16> to vector<1024x256xbf16>
      %dot_general3A_283 = arith.constant dense<0.000000e+00> : vector<1024x8xf32>
      %dot_general3A_284 = tpu.matmul %slice3A_282, %get3A_281, %dot_general3A_283 {dimension_numbers = #tpu.dot_dimension_numbers<[1], [0], [0], [1], [0, 0, 1, 1], [], []>, transpose_lhs_hint = false} : vector<1024x256xbf16>, vector<256x8xbf16>, vector<1024x8xf32> -> vector<1024x8xf32>
      %slice3A_285 = vector.extract_strided_slice %convert_element_type3A_276 {offsets = [0, 256], sizes = [1024, 256], strides = [1, 1]} : vector<1024x2048xbf16> to vector<1024x256xbf16>
      %dot_general3A_286 = arith.constant dense<0.000000e+00> : vector<1024x8xf32>
      %dot_general3A_287 = tpu.matmul %slice3A_285, %get3A_281, %dot_general3A_286 {dimension_numbers = #tpu.dot_dimension_numbers<[1], [0], [0], [1], [0, 0, 1, 1], [], []>, transpose_lhs_hint = false} : vector<1024x256xbf16>, vector<256x8xbf16>, vector<1024x8xf32> -> vector<1024x8xf32>
      %slice3A_288 = vector.extract_strided_slice %convert_element_type3A_276 {offsets = [0, 512], sizes = [1024, 256], strides = [1, 1]} : vector<1024x2048xbf16> to vector<1024x256xbf16>
      %dot_general3A_289 = arith.constant dense<0.000000e+00> : vector<1024x8xf32>
      %dot_general3A_290 = tpu.matmul %slice3A_288, %get3A_281, %dot_general3A_289 {dimension_numbers = #tpu.dot_dimension_numbers<[1], [0], [0], [1], [0, 0, 1, 1], [], []>, transpose_lhs_hint = false} : vector<1024x256xbf16>, vector<256x8xbf16>, vector<1024x8xf32> -> vector<1024x8xf32>
      %slice3A_291 = vector.extract_strided_slice %convert_element_type3A_276 {offsets = [0, 768], sizes = [1024, 256], strides = [1, 1]} : vector<1024x2048xbf16> to vector<1024x256xbf16>
      %dot_general3A_292 = arith.constant dense<0.000000e+00> : vector<1024x8xf32>
      %dot_general3A_293 = tpu.matmul %slice3A_291, %get3A_281, %dot_general3A_292 {dimension_numbers = #tpu.dot_dimension_numbers<[1], [0], [0], [1], [0, 0, 1, 1], [], []>, transpose_lhs_hint = false} : vector<1024x256xbf16>, vector<256x8xbf16>, vector<1024x8xf32> -> vector<1024x8xf32>
      %slice3A_294 = vector.extract_strided_slice %convert_element_type3A_276 {offsets = [0, 1024], sizes = [1024, 256], strides = [1, 1]} : vector<1024x2048xbf16> to vector<1024x256xbf16>
      %dot_general3A_295 = arith.constant dense<0.000000e+00> : vector<1024x8xf32>
      %dot_general3A_296 = tpu.matmul %slice3A_294, %get3A_281, %dot_general3A_295 {dimension_numbers = #tpu.dot_dimension_numbers<[1], [0], [0], [1], [0, 0, 1, 1], [], []>, transpose_lhs_hint = false} : vector<1024x256xbf16>, vector<256x8xbf16>, vector<1024x8xf32> -> vector<1024x8xf32>
      %slice3A_297 = vector.extract_strided_slice %convert_element_type3A_276 {offsets = [0, 1280], sizes = [1024, 256], strides = [1, 1]} : vector<1024x2048xbf16> to vector<1024x256xbf16>
      %dot_general3A_298 = arith.constant dense<0.000000e+00> : vector<1024x8xf32>
      %dot_general3A_299 = tpu.matmul %slice3A_297, %get3A_281, %dot_general3A_298 {dimension_numbers = #tpu.dot_dimension_numbers<[1], [0], [0], [1], [0, 0, 1, 1], [], []>, transpose_lhs_hint = false} : vector<1024x256xbf16>, vector<256x8xbf16>, vector<1024x8xf32> -> vector<1024x8xf32>
      %slice3A_300 = vector.extract_strided_slice %convert_element_type3A_276 {offsets = [0, 1536], sizes = [1024, 256], strides = [1, 1]} : vector<1024x2048xbf16> to vector<1024x256xbf16>
      %dot_general3A_301 = arith.constant dense<0.000000e+00> : vector<1024x8xf32>
      %dot_general3A_302 = tpu.matmul %slice3A_300, %get3A_281, %dot_general3A_301 {dimension_numbers = #tpu.dot_dimension_numbers<[1], [0], [0], [1], [0, 0, 1, 1], [], []>, transpose_lhs_hint = false} : vector<1024x256xbf16>, vector<256x8xbf16>, vector<1024x8xf32> -> vector<1024x8xf32>
      %slice3A_303 = vector.extract_strided_slice %convert_element_type3A_276 {offsets = [0, 1792], sizes = [1024, 256], strides = [1, 1]} : vector<1024x2048xbf16> to vector<1024x256xbf16>
      %dot_general3A_304 = arith.constant dense<0.000000e+00> : vector<1024x8xf32>
      %dot_general3A_305 = tpu.matmul %slice3A_303, %get3A_281, %dot_general3A_304 {dimension_numbers = #tpu.dot_dimension_numbers<[1], [0], [0], [1], [0, 0, 1, 1], [], []>, transpose_lhs_hint = false} : vector<1024x256xbf16>, vector<256x8xbf16>, vector<1024x8xf32> -> vector<1024x8xf32>
      %concatenate3A_306 = tpu.concatenate %dot_general3A_284, %dot_general3A_287, %dot_general3A_290, %dot_general3A_293, %dot_general3A_296, %dot_general3A_299, %dot_general3A_302, %dot_general3A_305 in 1 : vector<1024x8xf32>, vector<1024x8xf32>, vector<1024x8xf32>, vector<1024x8xf32>, vector<1024x8xf32>, vector<1024x8xf32>, vector<1024x8xf32>, vector<1024x8xf32> -> vector<1024x64xf32>
      %add3A_307 = arith.addf %while3A_52, %concatenate3A_306 : vector<1024x64xf32>
      scf.yield %add3A_307 : vector<1024x64xf32>
    }
    %iota3A = tpu.iota {dimensions = array<i32: 1>} : vector<1024x64xi32>
    %jit3A = arith.constant 8 : i32
    %eq3A_23 = arith.constant 0 : i32
    %eq3A_24 = arith.cmpi eq, %jit3A, %eq3A_23 : i32
    %jit3A_25 = arith.constant 1 : i32
    %select_n3A = arith.select %eq3A_24, %jit3A_25, %jit3A : i32
    %rem3A = vector.broadcast %select_n3A : i32 to vector<1024x64xi32>
    %rem3A_26 = arith.remsi %iota3A, %rem3A : vector<1024x64xi32>
    %ne3A = arith.constant 0 : i32
    %ne3A_27 = vector.broadcast %ne3A : i32 to vector<1024x64xi32>
    %ne3A_28 = arith.cmpi ne, %rem3A_26, %ne3A_27 : vector<1024x64xi32>
    %lt3A = arith.constant 0 : i32
    %lt3A_29 = vector.broadcast %lt3A : i32 to vector<1024x64xi32>
    %lt3A_30 = arith.cmpi slt, %rem3A_26, %lt3A_29 : vector<1024x64xi32>
    %lt3A_31 = arith.constant 0 : i32
    %lt3A_32 = arith.cmpi slt, %select_n3A, %lt3A_31 : i32
    %ne3A_33 = vector.broadcast %lt3A_32 : i1 to vector<1024x64xi1>
    %ne3A_34 = vector.broadcast %ne3A_33 : vector<1024x64xi1> to vector<1024x64xi1>
    %ne3A_35 = arith.xori %lt3A_30, %ne3A_34 : vector<1024x64xi1>
    %and3A = arith.andi %ne3A_35, %ne3A_28 : vector<1024x64xi1>
    %add3A_36 = vector.broadcast %select_n3A : i32 to vector<1024x64xi32>
    %add3A_37 = arith.addi %rem3A_26, %add3A_36 : vector<1024x64xi32>
    %select_n3A_38 = arith.select %and3A, %add3A_37, %rem3A_26 : vector<1024x64xi1>, vector<1024x64xi32>
    %lt3A_39 = arith.constant 6 : i32
    %lt3A_40 = vector.broadcast %lt3A_39 : i32 to vector<1024x64xi32>
    %lt3A_41 = arith.cmpi slt, %select_n3A_38, %lt3A_40 : vector<1024x64xi32>
    %jit3A_42 = arith.constant 0.000000e+00 : f32
    %jit3A_43 = arith.constant 1.000000e+00 : f32
    %max3A = vector.broadcast %jit3A_42 : f32 to vector<1024x64xf32>
    %max3A_44 = arith.maximumf %max3A, %while3A_22 : vector<1024x64xf32>
    %min3A = vector.broadcast %jit3A_43 : f32 to vector<1024x64xf32>
    %min3A_45 = arith.minimumf %min3A, %max3A_44 : vector<1024x64xf32>
    %select_n3A_46 = arith.select %lt3A_41, %min3A_45, %while3A_22 : vector<1024x64xi1>, vector<1024x64xf32>
    %broadcast_in_dim3A_47 = vector.shape_cast %select_n3A_46 : vector<1024x64xf32> to vector<1x1024x64xf32>
    %swap3A = arith.constant 0 : index
    %swap3A_48 = arith.constant 0 : index
    %swap3A_49 = arith.constant 0 : index
    %swap3A_50 = vector.load %arg4[%swap3A, %swap3A_48, %swap3A_49] : memref<1x1024x64xf32, #tpu.memory_space<vmem>>, vector<1x1024x64xf32>
    tpu.vector_store %arg4[%swap3A, %swap3A_48, %swap3A_49], %broadcast_in_dim3A_47 {strides = array<i32>} : memref<1x1024x64xf32, #tpu.memory_space<vmem>>, vector<1x1024x64xf32>,
    return
  }
  func.func @transform_0(%arg0: i32) -> (i32, i32) {
    %c0_i32 = arith.constant 0 : i32
    %c0_i32_0 = arith.constant 0 : i32
    %c0_i32_1 = arith.constant 0 : i32
    return %c0_i32, %c0_i32_0 : i32, i32
  }
  func.func @transform_1(%arg0: i32) -> (i32, i32) {
    %c0_i32 = arith.constant 0 : i32
    %c0_i32_0 = arith.constant 0 : i32
    %c0_i32_1 = arith.constant 0 : i32
    return %c0_i32, %c0_i32_0 : i32, i32
  }
  func.func @transform_2(%arg0: i32) -> (i32, i32) {
    %c0_i32 = arith.constant 0 : i32
    %c0_i32_0 = arith.constant 0 : i32
    %c0_i32_1 = arith.constant 0 : i32
    return %c0_i32, %c0_i32_0 : i32, i32
  }
  func.func @transform_3(%arg0: i32) -> (i32, i32, i32) {
    %c0_i32 = arith.constant 0 : i32
    %c0_i32_0 = arith.constant 0 : i32
    %c0_i32_1 = arith.constant 0 : i32
    return %arg0, %c0_i32, %c0_i32_0 : i32, i32, i32
  }
}

</mosaic_0001>

<sc_bundles>
// kernel: gather_offload_async_start.1
scs
__scs_entry_jumppad:
0x0: {  	(pc) =	sbr.rel $0x88, $3  }
0x1: {  	(tag) =	ssettag $0x0;
	lr =	simm.s32 $0x1  }
0x2: {  	[smem:$0x3F9C] =	sst lr;
	_ =	strace $0xD0000000  }
0x3: {  	_ = 	snop  }
0x4: {  	_ = 	snop  }
0x5: {  	_ = 	snop  }
0x6: {  	_ = 	snop  }
0x7: {  	_ = 	snop  }
__scs_overlays_trampoline_lowered:
0x8: {  	[smem:$0x3FAB] =	sst s0  }
0x9: {  	[smem:$0x3FAC] =	sst s1  }
0xa: {  	[smem:$0x3FAD] =	sst s2  }
0xb: {  	[smem:$0x3FAE] =	sst s3  }
0xc: {  	[smem:$0x3FAF] =	sst s4  }
0xd: {  	[smem:$0x3FB0] =	sst s5  }
0xe: {  	[smem:$0x3FB1] =	sst s6  }
0xf: {  	[smem:$0x3FB2] =	sst s7  }
0x10: {  	[smem:$0x3FB3] =	sst s8  }
0x11: {  	[smem:$0x3FB4] =	sst s9;
	s0 =	simm.s32 @!p0 $0x0  }
0x12: {  	s1 =	sld [smem:$0x3F9A];
	s0 =	simm.s32 @p0 $0x1  }
0x13: {  	[smem:$0x3FB5] =	sst s0;
	s0 =	simm.s32 @!p1 $0x0  }
0x14: {  	s2 =	sld [smem:$0x3F99];
	s0 =	simm.s32 @p1 $0x1  }
0x15: {  	[smem:$0x3FB6] =	sst s0;
	s0 =	simm.s32 @!p2 $0x0  }
0x16: {  	s3 =	sld [smem:$0x3FDB];
	s0 =	simm.s32 @p2 $0x1  }
0x17: {  	s4 =	simm.s32 $0x1BF5;
	[smem:$0x3FB8] =	sst s0  }
0x18: {  	s0 =	sld [smem:$0x3F9B];
	_ =	swait.ge [sflag:s4], $0x0  }
0x19: {  	s7 =	sld [smem:$0x3F9C]  }
0x1a: {  	s8 =	sadd.s32 $0xFFFFE003, lr  }
0x1b: {  	s9 =	sadd.s32 $0xFFFFFEF7, lr;
	s5 =	simm.s32 $0xFFFFFFFF;
	p2 =	slt.u32 s8, $0xFFFFF086  }
0x1c: {  	p1 =	slt.u32 s9, $0xF7A;
	s5 =	simm.s32 @!p2 $0x0  }
0x1d: {  	s5 =	simm.s32 @p1 $0x1;
	p0 =	seq.s32 s7, s2  }
0x1e: {  	s7 =	smul.u32 @!p0 $0xF7A, s2;
	p2 =	seq.s32 @!p0 s5, $0x0  }
0x1f: {  	s9 =	smul.u32 $0xF7A, s1;
	s8 =	simm.s32 @!p0 $0x1BF5;
	p2 =	por !p2, p0  }
0x20: {  	[sflag:s8] =	ssyncset.s32 @!p0 $0xFFFFF086;
	s6 =	sadd.s32 @!p0 s3, s7;
	s7 =	simm.s32 @!p0 $0x108  }
0x21: {  	s3 =	sadd.s32 s3, s9;
	s6 =	sadd.s32 @!p0 $0x88, s6;
	s7 =	simm.s32 @p2 $0x1082  }
0x22: {  	[simem:s7], [sflag:s8] =	dma.local @!p0 [hbm:s6], $0xF7A  }
0x23: {  	s9 =	sor.u32 $0xD0000000, s2;
	s6 =	simm.s32 $0x108;
	_ =	swait.ge @!p0 [sflag:s8], $0x0  }
0x24: {  	s3 =	sadd.s32 $0x88, s3;
	s6 =	simm.s32 @!p1 $0x1082;
	[sflag:s4] =	ssyncset.s32 $0xFFFFF086  }
0x25: {  	[simem:s6], [sflag:s4] =	dma.local [hbm:s3], $0xF7A  }
0x26: {  	[smem:$0x3F9C] =	sst s1;
	(tag) =	ssettag s2;
	_ =	strace s9  }
0x27: {  	s1 =	sld [smem:$0x3FAC]  }
0x28: {  	s2 =	sld [smem:$0x3FAD]  }
0x29: {  	s4 =	sld [smem:$0x3FAF]  }
0x2a: {  	p0 =	seq.s32 s5, $0x0;
	s5 =	sld [smem:$0x3FB0]  }
0x2b: {  	s6 =	sld [smem:$0x3FB1]  }
0x2c: {  	s7 =	sld [smem:$0x3FB2]  }
0x2d: {  	s3 =	simm.s32 $0x108;
	s8 =	sld [smem:$0x3FB3]  }
0x2e: {  	s3 =	simm.s32 @!p0 $0x1082;
	s9 =	sld [smem:$0x3FB4]  }
0x2f: {  	lr =	sadd.s32 s0, s3;
	s0 =	sld [smem:$0x3FAB]  }
0x30: {  	s3 =	sld [smem:$0x3FAE]  }
0x31: {  	[smem:$0x3FB7] =	sst s10  }
0x32: {  	s10 =	sld [smem:$0x3FB5];
	_ =	sdelay $0x3  }
0x33: {  	p0 =	seq.s32 s10, $0x1;
	s10 =	sld [smem:$0x3FB7];
	_ =	sdelay $0x3  }
0x34: {  	[smem:$0x3FB7] =	sst s10  }
0x35: {  	s10 =	sld [smem:$0x3FB6];
	_ =	sdelay $0x3  }
0x36: {  	p1 =	seq.s32 s10, $0x1;
	s10 =	sld [smem:$0x3FB7];
	_ =	sdelay $0x3  }
0x37: {  	[smem:$0x3FB7] =	sst s10  }
0x38: {  	s10 =	sld [smem:$0x3FB8]  }
0x39: {  	_ = 	snop;
	(pc) =	sbr.ind lr, $3  }
0x3a: {  	_ = 	snop  }
0x3b: {  	_ = 	snop  }
0x3c: {  	p2 =	seq.s32 s10, $0x1;
	s10 =	sld [smem:$0x3FB7]  }
0x3d: {  	_ =	shalt  }
0x3e: {  	_ =	shalt  }
0x3f: {  	_ =	shalt  }
0x40: {  	_ =	shalt  }
0x41: {  	_ =	shalt  }
0x42: {  	_ =	shalt  }
0x43: {  	_ =	shalt  }
0x44: {  	_ =	shalt  }
0x45: {  	_ =	shalt  }
0x46: {  	_ =	shalt  }
0x47: {  	_ =	shalt  }
0x48: {  	_ =	shalt  }
0x49: {  	_ =	shalt  }
0x4a: {  	_ =	shalt  }
0x4b: {  	_ =	shalt  }
0x4c: {  	_ =	shalt  }
0x4d: {  	_ =	shalt  }
0x4e: {  	_ =	shalt  }
0x4f: {  	_ =	shalt  }
0x50: {  	_ =	shalt  }
0x51: {  	_ =	shalt  }
0x52: {  	_ =	shalt  }
0x53: {  	_ =	shalt  }
0x54: {  	_ =	shalt  }
0x55: {  	_ =	shalt  }
0x56: {  	_ =	shalt  }
0x57: {  	_ =	shalt  }
0x58: {  	_ =	shalt  }
0x59: {  	_ =	shalt  }
0x5a: {  	_ =	shalt  }
0x5b: {  	_ =	shalt  }
0x5c: {  	_ =	shalt  }
0x5d: {  	_ =	shalt  }
0x5e: {  	_ =	shalt  }
0x5f: {  	_ =	shalt  }
0x60: {  	_ =	shalt  }
0x61: {  	_ =	shalt  }
0x62: {  	_ =	shalt  }
0x63: {  	_ =	shalt  }
0x64: {  	_ =	shalt  }
0x65: {  	_ =	shalt  }
0x66: {  	_ =	shalt  }
0x67: {  	_ =	shalt  }
0x68: {  	_ =	shalt  }
0x69: {  	_ =	shalt  }
0x6a: {  	_ =	shalt  }
0x6b: {  	_ =	shalt  }
0x6c: {  	_ =	shalt  }
0x6d: {  	_ =	shalt  }
0x6e: {  	_ =	shalt  }
0x6f: {  	_ =	shalt  }
0x70: {  	_ =	shalt  }
0x71: {  	_ =	shalt  }
0x72: {  	_ =	shalt  }
0x73: {  	_ =	shalt  }
0x74: {  	_ =	shalt  }
0x75: {  	_ =	shalt  }
0x76: {  	_ =	shalt  }
0x77: {  	_ =	shalt  }
0x78: {  	_ =	shalt  }
0x79: {  	_ =	shalt  }
0x7a: {  	_ =	shalt  }
0x7b: {  	_ =	shalt  }
0x7c: {  	_ =	shalt  }
0x7d: {  	_ =	shalt  }
0x7e: {  	_ =	shalt  }
0x7f: {  	_ =	shalt  }
0x80: {  	_ =	shalt  }
0x81: {  	_ =	shalt  }
0x82: {  	_ =	shalt  }
0x83: {  	_ =	shalt  }
0x84: {  	_ =	shalt  }
0x85: {  	_ =	shalt  }
0x86: {  	_ =	shalt  }
0x87: {  	_ =	shalt  }
.Lfunc_end0:
.L_simem_size_0:
called_computation.1_lowered:
.L_overlay_start_0:
0x88: {  	s2 =	sld [smem:$0x3FD9]  }
0x89: {  	s3 =	sld [smem:$0x3FFE];
	_ =	sdelay $0x1  }
0x8a: {  	s1 =	srdreg.scid  }
0x8b: {  	s0 =	sand.u32 $0x1, s1  }
0x8c: {  	s14 =	sshll.u32 s0, $0xA;
	s2 =	sadd.s32 s3, s2  }
0x8d: {  	s2 =	sadd.s32 s2, s14  }
0x8e: {  	[smem:$0x3FC3] =	sst s2  }
0x8f: {  	_ = 	snop  }
0x90: {  	s2 =	sld [smem:$0x3FD0];
	_ =	sdelay $0x2  }
0x91: {  	s15 =	simm.s32 $0xA;
	s4 =	simm.s32 $0x10  }
0x92: {  	[smem:s4], [sflag:s15] =	dma.local [hbm:s2], $0x1  }
0x93: {  	_ =	swait.eq [sflag:s15], $0x1  }
0x94: {  	[sflag:s15] =	ssyncset.done $0x0  }
0x95: {  	[sflag:s15] =	ssyncadd.s32 $0xFFFFFFFF  }
0x96: {  	s16 =	sld [smem:$0x12];
	(tm) =	ssettm $0x1  }
0x97: {  	s17 =	sld [smem:$0x3FFB];
	_ =	sdelay $0x3  }
0x98: {  	_ =	strace s17  }
0x99: {  	s3 =	sld [smem:$0x3FFC];
	_ =	sdelay $0x3  }
0x9a: {  	_ =	strace s3  }
0x9b: {  	s3 =	sld [smem:$0x3FFD];
	_ =	sdelay $0x3  }
0x9c: {  	_ =	strace s3  }
0x9d: {  	_ =	strace $0x8FFFFFFF  }
0x9e: {  	s18 =	sld [smem:$0x3FDB];
	_ =	sdelay $0x1  }
0x9f: {  	s19 =	simm.s32 $_scs_section_size  }
0xa0: {  	s5 =	simm.s32 $_size__tile_overlayer_lowered;
	s6 =	simm.s32 $_tile_overlayer_lowered  }
0xa1: {  	s22 =	simm.s32 $0x1BFF;
	s21 =	sshll.u32 s6, $0x1;
	s3 =	sadd.s32 s19, s18  }
0xa2: {  	s7 =	simm.s32 $0x0;
	s20 =	sshll.u32 s5, $0x1;
	s5 =	sadd.s32 s21, s3  }
0xa3: {  	[timem:s7], [sflag:s22] =	dma.local [hbm:s5], s20  }
0xa4: {  	_ =	swait.ge [sflag:s22], s20  }
0xa5: {  	s4 =	ssub.s32 $0x0, s20;
	[sflag:s22] =	ssyncset.done $0x0  }
0xa6: {  	[sflag:s22] =	ssyncadd.s32 s4;
	_ =	sdelay $0x1  }
0xa7: {  	s23 =	simm.s32 $0x1B8B  }
0xa8: {  	_ =	swait.ge [sflag:s23], $0x1  }
0xa9: {  	[sflag:s23] =	ssyncset.done $0x0  }
0xaa: {  	s25 =	simm.s32 $0x1B8E;
	s24 =	sld [smem:$0x3FFE];
	[sflag:s23] =	ssyncadd.s32 $0xFFFFFFFF  }
0xab: {  	s26 =	simm.s32 $execute0_lowered;
	[smem:$0x3FD2] =	sst s25  }
0xac: {  	s5 =	sshll.u32 s26, $0x1;
	_ =	strace $0x80000049;
	[dreg:$0x1] =	wrdreg $0xFFFFFFFF  }
0xad: {  	s28 =	simm.s32 $_size_execute0_lowered;
	s3 =	sadd.s32 s3, s5;
	[dreg:$0x0] =	wrdreg $0x0  }
0xae: {  	s5 =	sshll.u32 s28, $0x1;
	[dreg:$0x2] =	wrdreg s3  }
0xaf: {  	[dreg:$0x3] =	wrdreg s5  }
0xb0: {  	[dreg:$0x4] =	wrdreg $0xC0  }
0xb1: {  	_ =	task [dreg:s7], $0x5FFFF  }
0xb2: {  	[dreg:$0x1] =	wrdreg $0xFFFFFFFF  }
0xb3: {  	[dreg:$0x0] =	wrdreg $0x60  }
0xb4: {  	[dreg:$0x2] =	wrdreg s24  }
0xb5: {  	[dreg:$0x3] =	wrdreg s16  }
0xb6: {  	[dreg:$0x4] =	wrdreg $0x9  }
0xb7: {  	_ =	task.clear_ibuf [dreg:s7], $0x5FFFF;
	_ =	strace $0x90000049  }
0xb8: {  	s29 =	simm.s32 $0x9;
	_ =	strace $0x8000004B  }
0xb9: {  	_ =	swait.ge [sflag:s29], $0x1  }
0xba: {  	[sflag:s29] =	ssyncadd.s32 $0xFFFFFFFF  }
0xbb: {  	_ =	strace $0x9000004B  }
0xbc: {  	_ =	sfence  }
0xbd: {  	s30 =	sld [smem:$0x0];
	_ =	sdelay $0x2  }
0xbe: {  	s31 =	sshll.u32 s1, $0xD;
	s1 =	sshrl.u32 s1, $0x2  }
0xbf: {  	s3 =	sand.u32 $0x4000, s31;
	s1 =	sadd.s32 s1, s30  }
0xc0: {  	s0 =	sor.u32 s3, s0;
	s1 =	sshll.u32 s1, $0x11  }
0xc1: {  	s0 =	sor.u32 s1, s0  }
0xc2: {  	s0 =	sadd.s32 $0x8F2B, s0  }
0xc3: {  	[sflag:s0] =	ssyncadd.remote.s32 $0x1  }
0xc4: {  	_ =	sfence.sel $0xFFFF  }
0xc5: {  	[dreg:$0x0] =	wrdreg $0xFFFFFFFF;
	(pc) =	sbr.abs _section_cstart, $3  }
0xc6: {  	[dreg:$0x1] =	wrdreg $0xFFFFFFFF  }
0xc7: {  	_ =	task.clear_ibuf [dreg:s7], $0x2FFFF;
	_ =	strace $0x9FFFFFFF  }
0xc8: {  	(tm) =	ssettm $0x7FFFFFFF  }
0xc9: {  	_ =	shalt  }
tec
execute0_lowered:
.L_overlay_start_1:
0x0: {  	(tag) =	ssettag $0x1  }
0x1: {  	s7 =	rddreg [dreg:$0x0]  }
0x2: {  	s2 =	rddreg [dreg:$0x1]  }
0x3: {  	s0 =	rddreg [dreg:$0x2]  }
0x4: {  	s1 =	srdreg.scid;
	_ =	strace $0x8000004A;
	s4 =	simm.s32 $0x1  }
0x5: {  	s9 =	simm.s32 $0x3;
	s12 =	simm.s32 $0x0;
	s5 =	sshll.u32 s1, $0x4  }
.Ltmp0:
0x6: {  	s1 =	stileid.u32;
	s5 =	sand.u32 $0x10, s5;
	(pc) =	sbr.rel .LBB2_1-.Ltmp0, $4  }
0x7: {  	s10 =	simm.s32 $0x0;
	s3 =	sadd.s32 $0x1000, s7;
	s6 =	sor.u32 s1, s5  }
0x8: {  	[sflag:s4] =	ssyncpa.u1 $0x0;
	s5 =	simm.s32 $0x2;
	s6 =	sshll.u32 s6, $0x7  }
0x9: {  	s7 =	sadd.s32 $0x11000, s7;
	[sflag:s5] =	ssyncpa.u1 $0x0;
	s8 =	sadd.s32 $0x80, s6  }
0xa: {  	vm0 =	vmmov $0xff;
	vm1 =	vcmask $0x3F20;
	[sflag:s9] =	ssyncpa.u1 $0x0;
	s9 =	simm.s32 $0x80;
	s11 =	smov.u32 s6  }
.LBB2_9:
0xb: {  	p0 =	seq.s32 s10, $0x2  }
.Ltmp1:
0xc: {  	_ = 	snop;
	(pc) =	sbr.rel @p0 .LBB2_11-.Ltmp1, $1  }
0xd: {  	_ =	sdelay $0x3  }
.LBB2_10:
0xe: {  	s12 =	sadd.s32 $0x80, s11  }
0xf: {  	s13 =	smov.u32 s6;
	p0 =	slt.s32 s12, s8  }
0x10: {  	s13 =	smov.u32 @p0 s12  }
0x11: {  	s10 =	sadd.s32 $0x1, s10;
	s12 =	smov.u32 s11;
	s11 =	smov.u32 s13  }
.LBB2_1:
0x12: {  	p0 =	sne.s32 s10, $0x0  }
.Ltmp2:
0x13: {  	_ = 	snop;
	(pc) =	sbr.rel @!p0 .LBB2_2-.Ltmp2, $1  }
0x14: {  	_ =	sdelay $0x3  }
0x15: {  	s13 =	sand.u32 $0x1, s10  }
0x16: {  	p0 =	seq.s32 s13, $0x0  }
.Ltmp3:
0x17: {  	_ = 	snop;
	(pc) =	sbr.rel @p0 .LBB2_9-.Ltmp3, $1  }
0x18: {  	_ =	sdelay $0x3  }
0x19: {  	_ =	swait.ge [sflag:s5], $0x80  }
0x1a: {  	[sflag:s5] =	ssyncset.done $0x0  }
0x1b: {  	s13 =	simm.s32 $0x0;
	[sflag:s5] =	ssyncadd.s32 $0xFFFFFF80  }
0x1c: {  	v0 =	vld.msk [tilespmem:s13+$0x80 ss:$0x1], $0xffff;
	_ =	sdelay $0x4  }
0x1d: {  	vm2 =	vgt.s32 v0, $0x0  }
0x1e: {  	v0 =	vnsel vm2, $0x0, v0  }
0x1f: {  	v0 =	vmin.u32 v0, $0xFFF  }
0x20: {  	v0 =	vshll.u32 v0, $0x4;
	_ =	sdelay $0x3  }
0x21: {  	s13 =	simm.s32 $0x4100  }
0x22: {  	[tilespmem:s13], [sflag:$0x1] =	stream.indirect_vreg.gather [hbm:s3], $0x80, v0, vm0, $0x38;
	[tilespmem:$0x8100] =	vst v63  }
0x23: {  	s14 =	simm.s32 $0x4500;
	s31 =	simm.s32 $0x10  }
0x24: {  	[tilespmem:s14], [sflag:$0x1] =	stream.indirect_vreg.gather [hbm:s3], $0x80, v0, vm1, $0x38;
	[tilespmem:$0x8100] =	vst v63  }
0x25: {  	s14 =	simm.s32 $0x80;
	v0 =	vld.msk [tilespmem:s31+$0x80 ss:$0x1], $0xffff  }
.LBB2_5:
0x26: {  	p0 =	sne.s32 s14, $0x1C0;
	_ =	sdelay $0x4  }
0x27: {  	vm2 =	vgt.s32 v0, $0x0  }
0x28: {  	v0 =	vnsel vm2, $0x0, v0  }
0x29: {  	v0 =	vmin.u32 v0, $0xFFF  }
0x2a: {  	v0 =	vshll.u32 v0, $0x4;
	_ =	sdelay $0x3  }
.Ltmp4:
0x2b: {  	s13 =	sadd.s32 $0x800, s13;
	(pc) =	sbr.rel @p0 .LBB2_5-.Ltmp4, $4  }
0x2c: {  	[tilespmem:s13], [sflag:$0x1] =	stream.indirect_vreg.gather [hbm:s3], $0x80, v0, vm0, $0x38;
	[tilespmem:$0x8100] =	vst v63  }
0x2d: {  	s15 =	sshra.s32 s14, $0x2;
	s16 =	sadd.s32 $0x400, s13  }
0x2e: {  	[tilespmem:s16], [sflag:$0x1] =	stream.indirect_vreg.gather [hbm:s3], $0x80, v0, vm1, $0x38;
	[tilespmem:$0x8100] =	vst v63  }
0x2f: {  	s14 =	sadd.s32 $0x40, s14;
	v0 =	vld.msk [tilespmem:s15+$0x80 ss:$0x1], $0xffff  }
0x30: {  	_ =	sdelay $0x3  }
0x31: {  	vm2 =	vgt.s32 v0, $0x0  }
0x32: {  	v0 =	vnsel vm2, $0x0, v0  }
0x33: {  	v0 =	vmin.u32 v0, $0xFFF  }
0x34: {  	v0 =	vshll.u32 v0, $0x4;
	_ =	sdelay $0x3  }
0x35: {  	s13 =	sadd.s32 $0x800, s13  }
0x36: {  	[tilespmem:s13], [sflag:$0x1] =	stream.indirect_vreg.gather [hbm:s3], $0x80, v0, vm0, $0x38;
	[tilespmem:$0x8100] =	vst v63  }
0x37: {  	s13 =	sadd.s32 $0x400, s13  }
0x38: {  	[tilespmem:s13], [sflag:$0x1] =	stream.indirect_vreg.gather [hbm:s3], $0x80, v0, vm1, $0x38;
	[tilespmem:$0x8100] =	vst v63  }
0x39: {  	s12 =	sshll.u32 s12, $0x4;
	s14 =	simm.s32 $0x80;
	_ =	swait.ge [sflag:s4], $0x4000  }
0x3a: {  	s15 =	simm.s32 $0x4500;
	s12 =	sadd.s32 s12, s7;
	[sflag:s4] =	ssyncset.done $0x0  }
0x3b: {  	s16 =	sadd.s32 $0x0, s12;
	s13 =	simm.s32 $0x4100;
	[sflag:s4] =	ssyncadd.s32 $0xFFFFC000  }
.LBB2_7:
0x3c: {  	[hbm:s16] =	stream.linear.scatter [tilespmem:s13], [sflag:$0x3], $0x400, $0x38;
	[tilespmem:$0x8100] =	vst v63  }
0x3d: {  	s16 =	smov.u32 s14;
	s13 =	smov.u32 s15;
	p0 =	sne.s32 s14, $0x780  }
.Ltmp5:
0x3e: {  	s14 =	sadd.s32 $0x80, s14;
	(pc) =	sbr.rel @p0 .LBB2_7-.Ltmp5, $2  }
0x3f: {  	_ =	sdelay $0x2  }
0x40: {  	s15 =	sadd.s32 $0x400, s15;
	s16 =	sadd.s32 s16, s12  }
.Ltmp6:
0x41: {  	(pc) =	sbr.rel .LBB2_9-.Ltmp6, $2  }
0x42: {  	_ =	sdelay $0x2  }
0x43: {  	[hbm:s16] =	stream.linear.scatter [tilespmem:s13], [sflag:$0x3], $0x400, $0x38;
	[tilespmem:$0x8100] =	vst v63  }
.LBB2_2:
.Ltmp7:
0x44: {  	(pc) =	sbr.rel .LBB2_10-.Ltmp7, $4  }
0x45: {  	_ = 	snop  }
0x46: {  	s12 =	sshrl.u32 s11, $0x3  }
0x47: {  	s13 =	sand.u32 $0x7, s11;
	s12 =	sadd.s32 s2, s12  }
0x48: {  	[tilespmem:s9], [sflag:$0x2] =	stream.linear.gather [hbm4b:s12+s13], $0x80, $0x38;
	[tilespmem:$0x8100] =	vst v63  }
.LBB2_11:
0x49: {  	s2 =	simm.s32 $0x3  }
0x4a: {  	_ =	swait.ge [sflag:s2], $0x4000  }
0x4b: {  	[sflag:s2] =	ssyncset.done $0x0  }
0x4c: {  	[sflag:s2] =	ssyncadd.s32 $0xFFFFC000  }
0x4d: {  	_ =	sfence.sel $0x180000  }
0x4e: {  	s3 =	simm.s32 $0x2;
	[bflag:$0x0] =	sbarrier.arrive $0xFFFF  }
0x4f: {  	[sflag:s3] =	ssyncpa.u1 $0x1  }
0x50: {  	s31 =	simm.s32 $0x1;
	[sflag:s2] =	ssyncpa.u1 $0x1  }
0x51: {  	[sflag:s31] =	ssyncpa.u1 $0x1  }
0x52: {  	p0 =	sne.s32 s1, $0x0;
	_ =	strace $0x9000004A  }
0x53: {  	s0 =	sadd.s32 @!p0 $0x100000, s0;
	[bflag:$0x2] =	sbarrier.arrive $0xFFFF  }
0x54: {  	[sflag:s0] =	ssyncadd.tile.s32 @!p0 $0x1;
	_ =	shalt  }
.Lfunc_end2:
_tile_overlayer_lowered:
.L_overlay_start_2:
0x55: {  	(tag) =	ssettag $0x2  }
0x56: {  	s0 =	rddreg [dreg:$0x0];
	s2 =	stileid.u32  }
0x57: {  	s1 =	rddreg [dreg:$0x1];
	p0 =	sne.s32 s2, $0x0  }
0x58: {  	s3 =	rddreg [dreg:$0x2];
	[bflag:$0x3] =	sbarrier.arrive $0xFFFF;
	s2 =	simm.s32 @!p0 $0x1C01  }
0x59: {  	[timem:s3], [sflag:s2] =	dma.local @!p0 [hbm:s0], s1  }
0x5a: {  	s0 =	simm.s32 @!p0 $0x1  }
0x5b: {  	_ =	swait.ge @!p0 [sflag:s0], s1  }
0x5c: {  	s1 =	ssub.s32 @!p0 $0x0, s1;
	[sflag:s0] =	ssyncset.done @!p0 $0x0  }
0x5d: {  	[sflag:s0] =	ssyncadd.s32 @!p0 s1  }
0x5e: {  	[bflag:$0x3] =	sbarrier.arrive $0xFFFF  }
0x5f: {  	_ =	shalt  }

// kernel: gather_offload_async_start
scs
__scs_entry_jumppad:
0x0: {  	(pc) =	sbr.rel $0x88, $3  }
0x1: {  	(tag) =	ssettag $0x0;
	lr =	simm.s32 $0x1  }
0x2: {  	[smem:$0x3F9C] =	sst lr;
	_ =	strace $0xD0000000  }
0x3: {  	_ = 	snop  }
0x4: {  	_ = 	snop  }
0x5: {  	_ = 	snop  }
0x6: {  	_ = 	snop  }
0x7: {  	_ = 	snop  }
__scs_overlays_trampoline_lowered:
0x8: {  	[smem:$0x3FAB] =	sst s0  }
0x9: {  	[smem:$0x3FAC] =	sst s1  }
0xa: {  	[smem:$0x3FAD] =	sst s2  }
0xb: {  	[smem:$0x3FAE] =	sst s3  }
0xc: {  	[smem:$0x3FAF] =	sst s4  }
0xd: {  	[smem:$0x3FB0] =	sst s5  }
0xe: {  	[smem:$0x3FB1] =	sst s6  }
0xf: {  	[smem:$0x3FB2] =	sst s7  }
0x10: {  	[smem:$0x3FB3] =	sst s8  }
0x11: {  	[smem:$0x3FB4] =	sst s9;
	s0 =	simm.s32 @!p0 $0x0  }
0x12: {  	s1 =	sld [smem:$0x3F9A];
	s0 =	simm.s32 @p0 $0x1  }
0x13: {  	[smem:$0x3FB5] =	sst s0;
	s0 =	simm.s32 @!p1 $0x0  }
0x14: {  	s2 =	sld [smem:$0x3F99];
	s0 =	simm.s32 @p1 $0x1  }
0x15: {  	[smem:$0x3FB6] =	sst s0;
	s0 =	simm.s32 @!p2 $0x0  }
0x16: {  	s3 =	sld [smem:$0x3FDB];
	s0 =	simm.s32 @p2 $0x1  }
0x17: {  	s4 =	simm.s32 $0x1BF5;
	[smem:$0x3FB8] =	sst s0  }
0x18: {  	s0 =	sld [smem:$0x3F9B];
	_ =	swait.ge [sflag:s4], $0x0  }
0x19: {  	s7 =	sld [smem:$0x3F9C]  }
0x1a: {  	s8 =	sadd.s32 $0xFFFFE003, lr  }
0x1b: {  	s9 =	sadd.s32 $0xFFFFFEF7, lr;
	s5 =	simm.s32 $0xFFFFFFFF;
	p2 =	slt.u32 s8, $0xFFFFF086  }
0x1c: {  	p1 =	slt.u32 s9, $0xF7A;
	s5 =	simm.s32 @!p2 $0x0  }
0x1d: {  	s5 =	simm.s32 @p1 $0x1;
	p0 =	seq.s32 s7, s2  }
0x1e: {  	s7 =	smul.u32 @!p0 $0xF7A, s2;
	p2 =	seq.s32 @!p0 s5, $0x0  }
0x1f: {  	s9 =	smul.u32 $0xF7A, s1;
	s8 =	simm.s32 @!p0 $0x1BF5;
	p2 =	por !p2, p0  }
0x20: {  	[sflag:s8] =	ssyncset.s32 @!p0 $0xFFFFF086;
	s6 =	sadd.s32 @!p0 s3, s7;
	s7 =	simm.s32 @!p0 $0x108  }
0x21: {  	s3 =	sadd.s32 s3, s9;
	s6 =	sadd.s32 @!p0 $0x88, s6;
	s7 =	simm.s32 @p2 $0x1082  }
0x22: {  	[simem:s7], [sflag:s8] =	dma.local @!p0 [hbm:s6], $0xF7A  }
0x23: {  	s9 =	sor.u32 $0xD0000000, s2;
	s6 =	simm.s32 $0x108;
	_ =	swait.ge @!p0 [sflag:s8], $0x0  }
0x24: {  	s3 =	sadd.s32 $0x88, s3;
	s6 =	simm.s32 @!p1 $0x1082;
	[sflag:s4] =	ssyncset.s32 $0xFFFFF086  }
0x25: {  	[simem:s6], [sflag:s4] =	dma.local [hbm:s3], $0xF7A  }
0x26: {  	[smem:$0x3F9C] =	sst s1;
	(tag) =	ssettag s2;
	_ =	strace s9  }
0x27: {  	s1 =	sld [smem:$0x3FAC]  }
0x28: {  	s2 =	sld [smem:$0x3FAD]  }
0x29: {  	s4 =	sld [smem:$0x3FAF]  }
0x2a: {  	p0 =	seq.s32 s5, $0x0;
	s5 =	sld [smem:$0x3FB0]  }
0x2b: {  	s6 =	sld [smem:$0x3FB1]  }
0x2c: {  	s7 =	sld [smem:$0x3FB2]  }
0x2d: {  	s3 =	simm.s32 $0x108;
	s8 =	sld [smem:$0x3FB3]  }
0x2e: {  	s3 =	simm.s32 @!p0 $0x1082;
	s9 =	sld [smem:$0x3FB4]  }
0x2f: {  	lr =	sadd.s32 s0, s3;
	s0 =	sld [smem:$0x3FAB]  }
0x30: {  	s3 =	sld [smem:$0x3FAE]  }
0x31: {  	[smem:$0x3FB7] =	sst s10  }
0x32: {  	s10 =	sld [smem:$0x3FB5];
	_ =	sdelay $0x3  }
0x33: {  	p0 =	seq.s32 s10, $0x1;
	s10 =	sld [smem:$0x3FB7];
	_ =	sdelay $0x3  }
0x34: {  	[smem:$0x3FB7] =	sst s10  }
0x35: {  	s10 =	sld [smem:$0x3FB6];
	_ =	sdelay $0x3  }
0x36: {  	p1 =	seq.s32 s10, $0x1;
	s10 =	sld [smem:$0x3FB7];
	_ =	sdelay $0x3  }
0x37: {  	[smem:$0x3FB7] =	sst s10  }
0x38: {  	s10 =	sld [smem:$0x3FB8]  }
0x39: {  	_ = 	snop;
	(pc) =	sbr.ind lr, $3  }
0x3a: {  	_ = 	snop  }
0x3b: {  	_ = 	snop  }
0x3c: {  	p2 =	seq.s32 s10, $0x1;
	s10 =	sld [smem:$0x3FB7]  }
0x3d: {  	_ =	shalt  }
0x3e: {  	_ =	shalt  }
0x3f: {  	_ =	shalt  }
0x40: {  	_ =	shalt  }
0x41: {  	_ =	shalt  }
0x42: {  	_ =	shalt  }
0x43: {  	_ =	shalt  }
0x44: {  	_ =	shalt  }
0x45: {  	_ =	shalt  }
0x46: {  	_ =	shalt  }
0x47: {  	_ =	shalt  }
0x48: {  	_ =	shalt  }
0x49: {  	_ =	shalt  }
0x4a: {  	_ =	shalt  }
0x4b: {  	_ =	shalt  }
0x4c: {  	_ =	shalt  }
0x4d: {  	_ =	shalt  }
0x4e: {  	_ =	shalt  }
0x4f: {  	_ =	shalt  }
0x50: {  	_ =	shalt  }
0x51: {  	_ =	shalt  }
0x52: {  	_ =	shalt  }
0x53: {  	_ =	shalt  }
0x54: {  	_ =	shalt  }
0x55: {  	_ =	shalt  }
0x56: {  	_ =	shalt  }
0x57: {  	_ =	shalt  }
0x58: {  	_ =	shalt  }
0x59: {  	_ =	shalt  }
0x5a: {  	_ =	shalt  }
0x5b: {  	_ =	shalt  }
0x5c: {  	_ =	shalt  }
0x5d: {  	_ =	shalt  }
0x5e: {  	_ =	shalt  }
0x5f: {  	_ =	shalt  }
0x60: {  	_ =	shalt  }
0x61: {  	_ =	shalt  }
0x62: {  	_ =	shalt  }
0x63: {  	_ =	shalt  }
0x64: {  	_ =	shalt  }
0x65: {  	_ =	shalt  }
0x66: {  	_ =	shalt  }
0x67: {  	_ =	shalt  }
0x68: {  	_ =	shalt  }
0x69: {  	_ =	shalt  }
0x6a: {  	_ =	shalt  }
0x6b: {  	_ =	shalt  }
0x6c: {  	_ =	shalt  }
0x6d: {  	_ =	shalt  }
0x6e: {  	_ =	shalt  }
0x6f: {  	_ =	shalt  }
0x70: {  	_ =	shalt  }
0x71: {  	_ =	shalt  }
0x72: {  	_ =	shalt  }
0x73: {  	_ =	shalt  }
0x74: {  	_ =	shalt  }
0x75: {  	_ =	shalt  }
0x76: {  	_ =	shalt  }
0x77: {  	_ =	shalt  }
0x78: {  	_ =	shalt  }
0x79: {  	_ =	shalt  }
0x7a: {  	_ =	shalt  }
0x7b: {  	_ =	shalt  }
0x7c: {  	_ =	shalt  }
0x7d: {  	_ =	shalt  }
0x7e: {  	_ =	shalt  }
0x7f: {  	_ =	shalt  }
0x80: {  	_ =	shalt  }
0x81: {  	_ =	shalt  }
0x82: {  	_ =	shalt  }
0x83: {  	_ =	shalt  }
0x84: {  	_ =	shalt  }
0x85: {  	_ =	shalt  }
0x86: {  	_ =	shalt  }
0x87: {  	_ =	shalt  }
.Lfunc_end0:
.L_simem_size_0:
called_computation_lowered:
.L_overlay_start_0:
0x88: {  	s2 =	sld [smem:$0x3FD9]  }
0x89: {  	s3 =	sld [smem:$0x3FFE];
	_ =	sdelay $0x1  }
0x8a: {  	s1 =	srdreg.scid  }
0x8b: {  	s0 =	sand.u32 $0x1, s1  }
0x8c: {  	s15 =	sshll.u32 s0, $0xA;
	s2 =	sadd.s32 s3, s2  }
0x8d: {  	s2 =	sadd.s32 s2, s15  }
0x8e: {  	[smem:$0x3FC3] =	sst s2  }
0x8f: {  	_ = 	snop  }
0x90: {  	s2 =	sld [smem:$0x3FD0];
	_ =	sdelay $0x2  }
0x91: {  	s16 =	simm.s32 $0xA;
	s4 =	simm.s32 $0x10  }
0x92: {  	[smem:s4], [sflag:s16] =	dma.local [hbm:s2], $0x1  }
0x93: {  	_ =	swait.eq [sflag:s16], $0x1  }
0x94: {  	s17 =	sld [smem:$0x11];
	[sflag:s16] =	ssyncset.done $0x0  }
0x95: {  	s18 =	sld [smem:$0x12];
	[sflag:s16] =	ssyncadd.s32 $0xFFFFFFFF  }
0x96: {  	s19 =	sld [smem:$0x13];
	(tm) =	ssettm $0x1  }
0x97: {  	s5 =	sld [smem:$0x3FFB];
	_ =	sdelay $0x3  }
0x98: {  	_ =	strace s5  }
0x99: {  	s5 =	sld [smem:$0x3FFC];
	_ =	sdelay $0x3  }
0x9a: {  	_ =	strace s5  }
0x9b: {  	s5 =	sld [smem:$0x3FFD];
	_ =	sdelay $0x3  }
0x9c: {  	_ =	strace s5  }
0x9d: {  	_ =	strace $0x8FFFFFFF  }
0x9e: {  	s20 =	sld [smem:$0x3FDB];
	_ =	sdelay $0x1  }
0x9f: {  	s6 =	simm.s32 $_scs_section_size  }
0xa0: {  	s7 =	simm.s32 $_size__tile_overlayer_lowered;
	s8 =	simm.s32 $_tile_overlayer_lowered  }
0xa1: {  	s23 =	simm.s32 $0x1BFF;
	s22 =	sshll.u32 s8, $0x1;
	s5 =	sadd.s32 s6, s20  }
0xa2: {  	s9 =	simm.s32 $0x0;
	s21 =	sshll.u32 s7, $0x1;
	s7 =	sadd.s32 s22, s5  }
0xa3: {  	[timem:s9], [sflag:s23] =	dma.local [hbm:s7], s21  }
0xa4: {  	_ =	swait.ge [sflag:s23], s21  }
0xa5: {  	s6 =	ssub.s32 $0x0, s21;
	[sflag:s23] =	ssyncset.done $0x0  }
0xa6: {  	[sflag:s23] =	ssyncadd.s32 s6;
	_ =	sdelay $0x1  }
0xa7: {  	s24 =	simm.s32 $0x1B8B  }
0xa8: {  	_ =	swait.ge [sflag:s24], $0x1  }
0xa9: {  	[sflag:s24] =	ssyncset.done $0x0  }
0xaa: {  	s25 =	simm.s32 $0x1B8E;
	[sflag:s24] =	ssyncadd.s32 $0xFFFFFFFF  }
0xab: {  	s26 =	simm.s32 $execute0_lowered;
	[smem:$0x3FD2] =	sst s25  }
0xac: {  	s6 =	sshll.u32 s26, $0x1;
	_ =	strace $0x80000046;
	[dreg:$0x1] =	wrdreg $0xFFFFFFFF  }
0xad: {  	s28 =	simm.s32 $_size_execute0_lowered;
	s5 =	sadd.s32 s5, s6;
	[dreg:$0x0] =	wrdreg $0x0  }
0xae: {  	s6 =	sshll.u32 s28, $0x1;
	[dreg:$0x2] =	wrdreg s5  }
0xaf: {  	[dreg:$0x3] =	wrdreg s6  }
0xb0: {  	[dreg:$0x4] =	wrdreg $0xC0  }
0xb1: {  	_ =	task [dreg:s9], $0x5FFFF  }
0xb2: {  	[dreg:$0x1] =	wrdreg $0xFFFFFFFF  }
0xb3: {  	[dreg:$0x0] =	wrdreg $0x60  }
0xb4: {  	[dreg:$0x2] =	wrdreg s19  }
0xb5: {  	[dreg:$0x3] =	wrdreg s18  }
0xb6: {  	[dreg:$0x4] =	wrdreg s17  }
0xb7: {  	[dreg:$0x5] =	wrdreg $0x9  }
0xb8: {  	_ =	task.clear_ibuf [dreg:s9], $0x6FFFF;
	_ =	strace $0x90000046  }
0xb9: {  	s29 =	simm.s32 $0x9;
	_ =	strace $0x80000048  }
0xba: {  	_ =	swait.ge [sflag:s29], $0x1  }
0xbb: {  	[sflag:s29] =	ssyncadd.s32 $0xFFFFFFFF  }
0xbc: {  	_ =	strace $0x90000048  }
0xbd: {  	_ =	sfence  }
0xbe: {  	s30 =	sld [smem:$0x0];
	_ =	sdelay $0x2  }
0xbf: {  	s31 =	sshll.u32 s1, $0xD;
	s1 =	sshrl.u32 s1, $0x2  }
0xc0: {  	s3 =	sand.u32 $0x4000, s31;
	s1 =	sadd.s32 s1, s30  }
0xc1: {  	s0 =	sor.u32 s3, s0;
	s1 =	sshll.u32 s1, $0x11  }
0xc2: {  	s0 =	sor.u32 s1, s0  }
0xc3: {  	s0 =	sadd.s32 $0x8F2B, s0  }
0xc4: {  	[sflag:s0] =	ssyncadd.remote.s32 $0x1  }
0xc5: {  	_ =	sfence.sel $0xFFFF  }
0xc6: {  	[dreg:$0x0] =	wrdreg $0xFFFFFFFF;
	(pc) =	sbr.abs _section_cstart, $3  }
0xc7: {  	[dreg:$0x1] =	wrdreg $0xFFFFFFFF  }
0xc8: {  	_ =	task.clear_ibuf [dreg:s9], $0x2FFFF;
	_ =	strace $0x9FFFFFFF  }
0xc9: {  	(tm) =	ssettm $0x7FFFFFFF  }
tec
execute0_lowered:
.L_overlay_start_1:
0x0: {  	(tag) =	ssettag $0x1  }
0x1: {  	s1 =	srdreg.scid;
	s2 =	rddreg [dreg:$0x0]  }
0x2: {  	s0 =	stileid.u32;
	s3 =	rddreg [dreg:$0x1]  }
0x3: {  	s4 =	rddreg [dreg:$0x2];
	s6 =	simm.s32 $0x1;
	s1 =	sshll.u32 s1, $0x6  }
0x4: {  	s9 =	simm.s32 $0x1;
	s5 =	sshll.u32 s0, $0x7;
	s1 =	sand.u32 $0x40, s1  }
0x5: {  	s10 =	simm.s32 $0x3;
	s13 =	simm.s32 $0x0;
	s5 =	sor.u32 s5, s1  }
0x6: {  	s12 =	simm.s32 $0x0;
	s1 =	rddreg [dreg:$0x3];
	s8 =	ssub.s32 $0x1000, s5  }
.Ltmp0:
0x7: {  	_ =	strace $0x80000047;
	s7 =	sand.u32 $0x7C0, s8;
	(pc) =	sbr.rel .LBB2_1-.Ltmp0, $4  }
0x8: {  	[sflag:s6] =	ssyncpa.u1 $0x0;
	s11 =	smov.u32 s5;
	p0 =	sne.s32 s7, $0x0  }
0x9: {  	s8 =	sshrl.u32 s8, $0xB;
	s7 =	simm.s32 $0x2;
	s9 =	simm.s32 @!p0 $0x0  }
0xa: {  	[sflag:s7] =	ssyncpa.u1 $0x0;
	p0 =	por $0x0, $0x0;
	s8 =	sadd.s32 s9, s8  }
0xb: {  	vm0 =	vmmov $0xffff;
	[sflag:s10] =	ssyncpa.u1 $0x0;
	s10 =	simm.s32 $0x0;
	s9 =	sadd.s32 $0x1, s8  }
.LBB2_4:
0xc: {  	v2 =	vnsel vm1, $0x0, v2  }
0xd: {  	vm1 =	vgt.s32 v0, $0x0;
	v2 =	vmin.u32 v2, $0xFFF  }
0xe: {  	v0 =	vnsel vm1, $0x0, v0  }
0xf: {  	v0 =	vmin.u32 v0, $0xFFF  }
0x10: {  	[tilespmem:s15], [sflag:$0x1] =	stream.indirect_vreg.gather [hbm4b:s2+s10], $0x1, v1, vm0, $0x4038;
	[tilespmem:$0x100] =	vst v63  }
0x11: {  	(ifvalue) =	ssetifvalue $0x7FFFFFFF  }
0x12: {  	[tilespmem:s16], [sflag:$0x1] =	stream.indirect_vreg.gather [hbm4b:s2+s10], $0x1, v2, vm0, $0x4038;
	[tilespmem:$0x100] =	vst v63  }
0x13: {  	s29 =	sadd.s32 $0x10, s16;
	(ifvalue) =	ssetifvalue $0x7FFFFFFF  }
0x14: {  	[tilespmem:s29], [sflag:$0x1] =	stream.indirect_vreg.gather [hbm4b:s2+s10], $0x1, v0, vm0, $0x4038;
	[tilespmem:$0x100] =	vst v63  }
0x15: {  	_ =	swait.ge [sflag:s6], $0x40  }
0x16: {  	s30 =	sshrl.u32 s13, $0x3;
	[sflag:s6] =	ssyncset.done $0x0  }
0x17: {  	s31 =	sand.u32 $0x7, s13;
	s15 =	sadd.s32 s4, s30;
	[sflag:s6] =	ssyncadd.s32 $0xFFFFFFC0  }
0x18: {  	[hbm4b:s15+s31] =	stream.linear.scatter [tilespmem:s14], [sflag:$0x3], $0x40, $0x38;
	[tilespmem:$0x100] =	vst v63  }
.LBB2_5:
0x19: {  	s15 =	sadd.s32 $0x800, s11  }
0x1a: {  	p2 =	sgt.s32 s15, $0xFFF  }
0x1b: {  	s15 =	smov.u32 @p2 s5;
	p2 =	sne.s32 s12, s9  }
.Ltmp1:
0x1c: {  	p1 =	slt.u32 s12, $0x2;
	(pc) =	sbr.rel @!p2 .LBB2_6-.Ltmp1, $4  }
0x1d: {  	s14 =	simm.s32 @!p1 $0x3  }
0x1e: {  	s16 =	sadd.s32 $0x1, s12;
	_ =	swait.ge @!p1 [sflag:s14], $0x40  }
0x1f: {  	s13 =	smov.u32 s11;
	p0 =	por !p0, !p0;
	[sflag:s14] =	ssyncset.done @!p1 $0x0  }
0x20: {  	s12 =	smov.u32 s16;
	s11 =	smov.u32 s15;
	[sflag:s14] =	ssyncadd.s32 @!p1 $0xFFFFFFC0  }
.LBB2_1:
0x21: {  	p1 =	sge.u32 s12, s8  }
0x22: {  	s14 =	sxor.u32 @!p1 $0xFFFFFFFF, s12  }
0x23: {  	s31 =	sadd.s32 $0xFFFFFFFF, s12;
	s15 =	sshrl.u32 @!p1 s11, $0x3;
	s14 =	sshll.u32 @!p1 s14, $0x6  }
0x24: {  	s16 =	sand.u32 @!p1 $0x7, s11;
	s15 =	sadd.s32 @!p1 s3, s15;
	s14 =	sand.u32 @!p1 $0x40, s14  }
0x25: {  	[tilespmem:s14], [sflag:$0x2] =	stream.linear.gather @!p1 [hbm4b:s15+s16], $0x40, $0x38;
	[tilespmem:$0x100] =	vst v63  }
0x26: {  	p1 =	sge.u32 s31, s8  }
.Ltmp2:
0x27: {  	_ = 	snop;
	(pc) =	sbr.rel @p1 .LBB2_5-.Ltmp2, $1  }
0x28: {  	_ =	sdelay $0x3  }
0x29: {  	s14 =	simm.s32 $0x1  }
0x2a: {  	_ =	swait.ge [sflag:s7], $0x40;
	s14 =	simm.s32 @!p0 $0x0  }
0x2b: {  	[sflag:s7] =	ssyncset.done $0x0;
	s14 =	sshll.u32 s14, $0x6  }
0x2c: {  	[sflag:s7] =	ssyncadd.s32 $0xFFFFFFC0;
	(ifvalue) =	ssetifvalue $0x7FFFFFFF;
	v0 =	vld.msk [tilespmem:s14+$0x0 ss:$0x1], $0xffff;
	_ =	sdelay $0x4  }
0x2d: {  	s15 =	sadd.s32 $0x10, s14;
	vm1 =	vgt.s32 v0, $0x0  }
0x2e: {  	v2 =	vld.msk [tilespmem:s15+$0x0 ss:$0x1], $0xffff;
	v1 =	vnsel vm1, $0x0, v0  }
0x2f: {  	v1 =	vmin.u32 v1, $0xFFF;
	_ =	sdelay $0x1  }
0x30: {  	s16 =	sshll.u32 s12, $0x6;
	s18 =	simm.s32 $0x20  }
0x31: {  	s16 =	sand.u32 $0x40, s16;
	s17 =	sadd.s32 $0x10, s15;
	s15 =	sor.u32 $0x80, s14  }
0x32: {  	s14 =	sor.u32 $0x80, s16;
	s16 =	sadd.s32 $0x10, s15;
	v0 =	vld.msk [tilespmem:s17+$0x0 ss:$0x1], $0xffff;
	vm1 =	vgt.s32 v2, $0x0;
	(ifvalue) =	ssetifvalue $0x7FFFFFFF  }
.LBB2_3:
0x33: {  	[tilespmem:s15], [sflag:$0x1] =	stream.indirect_vreg.gather [hbm4b:s2+s10], $0x1, v1, vm0, $0x4038;
	[tilespmem:$0x100] =	vst v63  }
0x34: {  	s18 =	sadd.s32 $0x10, s18  }
0x35: {  	v2 =	vnsel vm1, $0x0, v2;
	p1 =	slt.u32 s18, $0x30  }
.Ltmp3:
0x36: {  	s15 =	smov.u32 s16;
	v1 =	vmin.u32 v2, $0xFFF;
	(pc) =	sbr.rel @p1 .LBB2_3-.Ltmp3, $3  }
0x37: {  	_ =	sdelay $0x1  }
0x38: {  	s17 =	sadd.s32 $0x10, s17  }
0x39: {  	vm1 =	vgt.s32 v0, $0x0;
	s16 =	sadd.s32 $0x10, s16;
	v2 =	vmov v0;
	(ifvalue) =	ssetifvalue $0x7FFFFFFF;
	v0 =	vld.msk [tilespmem:s17+$0x0 ss:$0x1], $0xffff  }
.Ltmp4:
0x3a: {  	_ = 	snop;
	(pc) =	sbr.rel .LBB2_4-.Ltmp4, $1  }
0x3b: {  	_ =	sdelay $0x3  }
.LBB2_6:
0x3c: {  	_ =	sfence.sel $0x180000  }
0x3d: {  	s2 =	simm.s32 $0x2;
	[bflag:$0x0] =	sbarrier.arrive $0xFFFF  }
0x3e: {  	s30 =	simm.s32 $0x3;
	[sflag:s2] =	ssyncpa.u1 $0x1  }
0x3f: {  	s31 =	simm.s32 $0x1;
	[sflag:s30] =	ssyncpa.u1 $0x1  }
0x40: {  	[sflag:s31] =	ssyncpa.u1 $0x1  }
0x41: {  	p0 =	sne.s32 s0, $0x0;
	_ =	strace $0x90000047  }
0x42: {  	s0 =	sadd.s32 @!p0 $0x100000, s1;
	[bflag:$0x2] =	sbarrier.arrive $0xFFFF  }
0x43: {  	[sflag:s0] =	ssyncadd.tile.s32 @!p0 $0x1;
	_ =	shalt  }
.Lfunc_end2:
_tile_overlayer_lowered:
.L_overlay_start_2:
0x44: {  	(tag) =	ssettag $0x2  }
0x45: {  	s0 =	rddreg [dreg:$0x0];
	s2 =	stileid.u32  }
0x46: {  	s1 =	rddreg [dreg:$0x1];
	p0 =	sne.s32 s2, $0x0  }
0x47: {  	s3 =	rddreg [dreg:$0x2];
	[bflag:$0x3] =	sbarrier.arrive $0xFFFF;
	s2 =	simm.s32 @!p0 $0x1C01  }
0x48: {  	[timem:s3], [sflag:s2] =	dma.local @!p0 [hbm:s0], s1  }
0x49: {  	s0 =	simm.s32 @!p0 $0x1  }
0x4a: {  	_ =	swait.ge @!p0 [sflag:s0], s1  }
0x4b: {  	s1 =	ssub.s32 @!p0 $0x0, s1;
	[sflag:s0] =	ssyncset.done @!p0 $0x0  }
0x4c: {  	[sflag:s0] =	ssyncadd.s32 @!p0 s1  }
0x4d: {  	[bflag:$0x3] =	sbarrier.arrive $0xFFFF  }
0x4e: {  	_ =	shalt  }

</sc_bundles>
